<compile_context>
chip_gen: v7x
topology: tpu7x:2x2x1
jax: 0.10.2.dev20260603
libtpu: 0.0.44.dev20260713+nightly
codegen_flags: <defaults>
</compile_context>

<pallas_src>
import functools

import jax
import jax.numpy as jnp
from jax import lax
from jax.experimental import pallas as pl
from jax.experimental.pallas import tpu as pltpu
from jax.experimental.pallas import tpu_sc as plsc

N = 10000
E = 320000
D = 128

NC = 2
NS = 16
NW = NC * NS
C = 128
NG = 10
NCH = 8 * NG
EPW = NCH * C
E_PAD = NW * EPW
N_PAD = 10240
RPT = N_PAD // NS

_mesh = plsc.VectorSubcoreMesh(core_axis_name="c", subcore_axis_name="s")


@functools.partial(
    pl.kernel,
    mesh=_mesh,
    out_type=jax.ShapeDtypeStruct((NC * N_PAD, D), jnp.float32),
    scratch_types=[
        pltpu.VMEM((NCH, C), jnp.int32),
        pltpu.VMEM((C, D), jnp.float32),
        pltpu.VMEM_SHARED((N_PAD, D), jnp.float32),
        pltpu.SemaphoreType.DMA,
    ],
)
def _deg_kernel(dst_hbm, ones_hbm, zeros_hbm, out_hbm, dst_v, ones_v, acc_sh,
                sem):
    cid = lax.axis_index("c")
    sid = lax.axis_index("s")
    wid = sid * NC + cid
    pltpu.sync_copy(zeros_hbm, acc_sh.at[pl.ds(sid * RPT, RPT)])
    pltpu.sync_copy(dst_hbm.at[wid], dst_v)
    pltpu.sync_copy(ones_hbm, ones_v)
    plsc.subcore_barrier()

    def body(j, carry):
        pltpu.async_copy(ones_v, acc_sh.at[dst_v.at[j]], sem, add=True)
        return carry

    lax.fori_loop(0, NCH, body, 0)

    def drain(j, carry):
        pltpu.make_async_copy(ones_v, acc_sh.at[dst_v.at[0]], sem).wait()
        return carry

    lax.fori_loop(0, NCH, drain, 0)
    plsc.subcore_barrier()
    pltpu.sync_copy(
        acc_sh.at[pl.ds(sid * RPT, RPT)],
        out_hbm.at[pl.ds(cid * N_PAD + sid * RPT, RPT)],
    )


@functools.partial(
    pl.kernel,
    mesh=_mesh,
    out_type=jax.ShapeDtypeStruct((NC * N_PAD, D), jnp.float32),
    scratch_types=[
        pltpu.VMEM((NCH, C), jnp.int32),
        pltpu.VMEM((8, C), jnp.int32),
        pltpu.VMEM((C, D), jnp.float32),
        pltpu.VMEM((C, D), jnp.float32),
        pltpu.VMEM_SHARED((N_PAD, D), jnp.float32),
        pltpu.SemaphoreType.DMA,
        pltpu.SemaphoreType.DMA,
        pltpu.SemaphoreType.DMA,
        pltpu.SemaphoreType.DMA,
        pltpu.SemaphoreType.DMA,
    ],
)
def _msg_kernel(u_hbm, src_hbm, dst_hbm, zeros_hbm, out_hbm,
                didx, sidx, b0, b1, acc_sh, isem, g0, g1, s0, s1):
    cid = lax.axis_index("c")
    sid = lax.axis_index("s")
    wid = sid * NC + cid
    bufs = (b0, b1)
    gsems = (g0, g1)
    ssems = (s0, s1)

    pltpu.sync_copy(zeros_hbm, acc_sh.at[pl.ds(sid * RPT, RPT)])
    pltpu.sync_copy(dst_hbm.at[wid], didx)

    def fetch_src(g):
        pltpu.async_copy(src_hbm.at[wid, g], sidx, isem)

    def wait_src():
        pltpu.make_async_copy(src_hbm.at[wid, 0], sidx, isem).wait()

    def sg(row, k):
        pltpu.async_copy(u_hbm.at[sidx.at[row]], bufs[k], gsems[k])

    def wg(k):
        pltpu.make_async_copy(u_hbm.at[sidx.at[0]], bufs[k], gsems[k]).wait()

    def ssc(j, k):
        pltpu.async_copy(bufs[k], acc_sh.at[didx.at[j]], ssems[k], add=True)

    def ws(k):
        pltpu.make_async_copy(bufs[k], acc_sh.at[didx.at[0]],
                              ssems[k]).wait()

    fetch_src(0)
    plsc.subcore_barrier()
    wait_src()
    sg(0, 0)
    sg(1, 1)

    def body(g, carry):
        base = g * 8
        for c in range(6):
            k = c % 2
            wg(k)
            ssc(base + c, k)
            ws(k)
            sg(c + 2, k)
        wg(0)
        ssc(base + 6, 0)
        wg(1)
        fetch_src(g + 1)
        ssc(base + 7, 1)
        ws(0)
        ws(1)
        wait_src()
        sg(0, 0)
        sg(1, 1)
        return carry

    lax.fori_loop(0, NG - 1, body, 0)
    base = (NG - 1) * 8
    for c in range(6):
        k = c % 2
        wg(k)
        ssc(base + c, k)
        ws(k)
        sg(c + 2, k)
    wg(0)
    ssc(base + 6, 0)
    wg(1)
    ssc(base + 7, 1)
    ws(0)
    ws(1)
    plsc.subcore_barrier()
    pltpu.sync_copy(
        acc_sh.at[pl.ds(sid * RPT, RPT)],
        out_hbm.at[pl.ds(cid * N_PAD + sid * RPT, RPT)],
    )


_BLK = 2000


def _scale_body(x_ref, w_ref, p0_ref, p1_ref, u_ref):
    deg = p0_ref[:, 0:1] + p1_ref[:, 0:1] + 1.0
    dinv = lax.rsqrt(deg)
    xw = jnp.dot(x_ref[...], w_ref[...], preferred_element_type=jnp.float32)
    u_ref[...] = xw * dinv


def _final_body(x_ref, u_ref, s0_ref, s1_ref, p0_ref, p1_ref, b_ref, g_ref,
                bt_ref, h_ref):
    deg = p0_ref[:, 0:1] + p1_ref[:, 0:1] + 1.0
    dinv = lax.rsqrt(deg)
    z = dinv * (s0_ref[...] + s1_ref[...] + u_ref[...]) + b_ref[...]
    h = x_ref[...] + z
    mu = jnp.mean(h, axis=-1, keepdims=True)
    d = h - mu
    var = jnp.mean(d * d, axis=-1, keepdims=True)
    out = d * lax.rsqrt(var + 1e-5) * g_ref[...] + bt_ref[...]
    h_ref[...] = jnp.maximum(out, 0.0)


def kernel(x, edge_index, W, b, gamma, beta):
    pad = E_PAD - E
    r = jnp.arange(pad, dtype=edge_index.dtype)
    srcp = jnp.concatenate([edge_index[0], r % N])
    dstp = jnp.concatenate([edge_index[1], N + r % (N_PAD - N)])
    src4 = srcp.reshape(NW, NG, 8, C)
    dst3 = dstp.reshape(NW, NCH, C)

    onesD = jnp.ones((C, D), jnp.float32)
    zerosD = jnp.zeros((RPT, D), jnp.float32)

    deg_parts = _deg_kernel(dst3, onesD, zerosD)
    p0 = deg_parts[:N, :8]
    p1 = deg_parts[N_PAD:N_PAD + N, :8]

    nblk = N // _BLK
    row_spec = pl.BlockSpec((_BLK, D), lambda i: (i, 0))
    cnt_spec = pl.BlockSpec((_BLK, 8), lambda i: (i, 0))
    vec_spec = pl.BlockSpec((1, D), lambda i: (0, 0))

    u = pl.pallas_call(
        _scale_body,
        grid=(nblk,),
        in_specs=[row_spec, pl.BlockSpec((D, D), lambda i: (0, 0)),
                  cnt_spec, cnt_spec],
        out_specs=row_spec,
        out_shape=jax.ShapeDtypeStruct((N, D), jnp.float32),
    )(x, W, p0, p1)

    s_parts = _msg_kernel(u, src4, dst3, zerosD)
    s0 = s_parts[:N]
    s1 = s_parts[N_PAD:N_PAD + N]

    h = pl.pallas_call(
        _final_body,
        grid=(nblk,),
        in_specs=[
            row_spec, row_spec, row_spec, row_spec, cnt_spec, cnt_spec,
            vec_spec, vec_spec, vec_spec,
        ],
        out_specs=row_spec,
        out_shape=jax.ShapeDtypeStruct((N, D), jnp.float32),
    )(x, u, s0, s1, p0, p1,
      b.reshape(1, D), gamma.reshape(1, D), beta.reshape(1, D))
    return h

# --- scband reference (transcript-rebuilt; emitter-appended) ---
"""Pipeline reference for scband-gnnlayer-35347580846828 (READ-ONLY COPY).

The authoritative reference and input builder live on the scoring server;
editing this copy changes nothing except your own understanding.
"""

import jax, jax.numpy as jnp
import numpy as np

N = 10000
E = 320000
D = 128


def layer_norm(h, gamma, beta, eps=1e-5):
    mu = jnp.mean(h, axis=-1, keepdims=True)
    var = jnp.mean((h - mu) ** 2, axis=-1, keepdims=True)
    return (h - mu) / jnp.sqrt(var + eps) * gamma + beta


def setup_inputs(seed: int = 0) -> dict:
    key = jax.random.key(seed)
    k1, k2, k3 = jax.random.split(key, 3)
    x = jax.random.normal(k1, (N, D), dtype=jnp.float32)
    edge_index = jax.random.randint(k2, (2, E), 0, N, dtype=jnp.int32)
    # GCNConv linear weight (glorot-ish) and bias
    W = jax.random.normal(k3, (D, D), dtype=jnp.float32) * (1.0 / np.sqrt(D))
    b = jnp.zeros((D,), dtype=jnp.float32)
    # LayerNorm params for norm_act_drop (out_channels=128)
    gamma = jnp.ones((D,), dtype=jnp.float32)
    beta = jnp.zeros((D,), dtype=jnp.float32)
    return {"x": x, "edge_index": edge_index, "W": W, "b": b, "gamma": gamma, "beta": beta}


def reference(x, edge_index, W, b, gamma, beta):
    # GNNLayer.forward with GCNConv (normalize=True, improved=False),
    # identity skip connection, then LayerNorm + ReLU (dropout_prob=0 -> no-op).
    x0 = x
    src = edge_index[0]
    dst = edge_index[1]
    # add self loops (GCN normalization with fill_value=1)
    loop = jnp.arange(N, dtype=edge_index.dtype)
    src = jnp.concatenate([src, loop])
    dst = jnp.concatenate([dst, loop])
    # symmetric normalization: D^{-1/2} A_hat D^{-1/2}
    deg = jnp.zeros((N,), dtype=x.dtype).at[dst].add(jnp.ones_like(dst, dtype=x.dtype))
    dinv = jnp.where(deg > 0, jax.lax.rsqrt(deg), 0.0)
    norm = dinv[src] * dinv[dst]
    # linear transform then message passing (gather from src, scatter-add to dst)
    xw = x @ W
    msgs = xw[src] * norm[:, None]
    z = jax.ops.segment_sum(msgs, dst, num_segments=N) + b
    # identity skip connection
    h = x0 + z
    # norm_act_drop: LayerNorm -> ReLU (dropout disabled)
    h = layer_norm(h, gamma, beta)
    h = jax.nn.relu(h)
    return h

if __name__ == "__main__":
    import jax
    _d = setup_inputs()
    print(jax.jit(kernel)(*tuple(_d.values())))

</pallas_src>

<mosaic_0001>
#map = affine_map<(d0, d1) -> (0, 0)>
#map1 = affine_map<(d0, d1) -> (0, 0, 0, 0)>
#map2 = affine_map<(d0, d1) -> (0, 0, 0)>
module attributes {stable_mosaic.version = 14 : i64} {
  func.func @_msg_kernel(%arg0: i32, %arg1: i32, %arg2: memref<10000x128xf32, #tpu.memory_space<hbm>>, %arg3: memref<32x10x8x128xi32, #tpu.memory_space<hbm>>, %arg4: memref<32x80x128xi32, #tpu.memory_space<hbm>>, %arg5: memref<640x128xf32, #tpu.memory_space<hbm>>, %arg6: memref<20480x128xf32, #tpu.memory_space<hbm>>, %arg7: memref<80x128xi32, #tpu.memory_space<vmem>>, %arg8: memref<8x128xi32, #tpu.memory_space<vmem>>, %arg9: memref<128x128xf32, #tpu.memory_space<vmem>>, %arg10: memref<128x128xf32, #tpu.memory_space<vmem>>, %arg11: memref<10240x128xf32, #tpu.memory_space<vmem_shared>>, %arg12: memref<!tpu.dma_semaphore, #tpu.memory_space<semaphore_mem>>, %arg13: memref<!tpu.dma_semaphore, #tpu.memory_space<semaphore_mem>>, %arg14: memref<!tpu.dma_semaphore, #tpu.memory_space<semaphore_mem>>, %arg15: memref<!tpu.dma_semaphore, #tpu.memory_space<semaphore_mem>>, %arg16: memref<!tpu.dma_semaphore, #tpu.memory_space<semaphore_mem>>) attributes {dimension_semantics = [#tpu.dimension_semantics<core_parallel>, #tpu.dimension_semantics<subcore_parallel>], iteration_bounds = array<i64: 2, 16>, scalar_prefetch = 0 : i64, scratch_operands = 10 : i64, tpu.core_type = #tpu.core_type<sc_vector_subcore>, window_params = [{transform_indices = #map}, {transform_indices = #map1}, {transform_indices = #map2}, {transform_indices = #map}, {transform_indices = #map}]} {
    %mul3A = arith.constant 2 : i32
    %mul3A_0 = arith.muli %arg1, %mul3A : i32
    %add3A = arith.addi %mul3A_0, %arg0 : i32
    %mul3A_1 = arith.constant 640 : i32
    %mul3A_2 = arith.muli %arg1, %mul3A_1 : i32
    "tpu.region"() ({
      %run_scoped3A = tpu.sem_alloc : memref<!tpu.dma_semaphore, #tpu.memory_space<semaphore_mem>>
      %dma_start3A_256 = arith.constant 0 : i32
      %dma_start3A_257 = tpu.memref_slice %arg11[%mul3A_2, %dma_start3A_256] : memref<10240x128xf32, #tpu.memory_space<vmem_shared>> -> memref<640x128xf32, #tpu.memory_space<vmem_shared>>
      tpu.enqueue_dma source(%arg5 : memref<640x128xf32, #tpu.memory_space<hbm>>) target(%dma_start3A_257 : memref<640x128xf32, #tpu.memory_space<vmem_shared>>) target_semaphore(%run_scoped3A : memref<!tpu.dma_semaphore, #tpu.memory_space<semaphore_mem>>)
      %dma_wait3A_258 = arith.constant 0 : i32
      %dma_wait3A_259 = tpu.memref_slice %arg11[%mul3A_2, %dma_wait3A_258] : memref<10240x128xf32, #tpu.memory_space<vmem_shared>> -> memref<640x128xf32, #tpu.memory_space<vmem_shared>>
      tpu.wait_dma2 semaphore(%run_scoped3A : memref<!tpu.dma_semaphore, #tpu.memory_space<semaphore_mem>>) src(%arg5 : memref<640x128xf32, #tpu.memory_space<hbm>>) dst(%dma_wait3A_259 : memref<640x128xf32, #tpu.memory_space<vmem_shared>>)
      tpu.yield
    }) : () -> ()
    "tpu.region"() ({
      %run_scoped3A = tpu.sem_alloc : memref<!tpu.dma_semaphore, #tpu.memory_space<semaphore_mem>>
      %dma_start3A_256 = arith.constant 0 : i32
      %dma_start3A_257 = arith.constant 0 : i32
      %dma_start3A_258 = tpu.memref_slice %arg4[%add3A, %dma_start3A_256, %dma_start3A_257] : memref<32x80x128xi32, #tpu.memory_space<hbm>> -> memref<1x80x128xi32, #tpu.memory_space<hbm>>
      %dma_start3A_259 = tpu.memref_squeeze %dma_start3A_258 : memref<1x80x128xi32, #tpu.memory_space<hbm>> -> memref<80x128xi32, #tpu.memory_space<hbm>>
      %dma_start3A_260 = arith.constant 0 : i32
      %dma_start3A_261 = arith.constant 0 : i32
      %dma_start3A_262 = tpu.memref_slice %arg4[%add3A, %dma_start3A_260, %dma_start3A_261] : memref<32x80x128xi32, #tpu.memory_space<hbm>> -> memref<1x80x128xi32, #tpu.memory_space<hbm>>
      %dma_start3A_263 = tpu.memref_squeeze %dma_start3A_262 : memref<1x80x128xi32, #tpu.memory_space<hbm>> -> memref<80x128xi32, #tpu.memory_space<hbm>>
      tpu.enqueue_dma source(%dma_start3A_263 : memref<80x128xi32, #tpu.memory_space<hbm>>) target(%arg7 : memref<80x128xi32, #tpu.memory_space<vmem>>) target_semaphore(%run_scoped3A : memref<!tpu.dma_semaphore, #tpu.memory_space<semaphore_mem>>)
      %dma_wait3A_264 = arith.constant 0 : i32
      %dma_wait3A_265 = arith.constant 0 : i32
      %dma_wait3A_266 = tpu.memref_slice %arg4[%add3A, %dma_wait3A_264, %dma_wait3A_265] : memref<32x80x128xi32, #tpu.memory_space<hbm>> -> memref<1x80x128xi32, #tpu.memory_space<hbm>>
      %dma_wait3A_267 = tpu.memref_squeeze %dma_wait3A_266 : memref<1x80x128xi32, #tpu.memory_space<hbm>> -> memref<80x128xi32, #tpu.memory_space<hbm>>
      %dma_wait3A_268 = arith.constant 0 : i32
      %dma_wait3A_269 = arith.constant 0 : i32
      %dma_wait3A_270 = tpu.memref_slice %arg4[%add3A, %dma_wait3A_268, %dma_wait3A_269] : memref<32x80x128xi32, #tpu.memory_space<hbm>> -> memref<1x80x128xi32, #tpu.memory_space<hbm>>
      %dma_wait3A_271 = tpu.memref_squeeze %dma_wait3A_270 : memref<1x80x128xi32, #tpu.memory_space<hbm>> -> memref<80x128xi32, #tpu.memory_space<hbm>>
      tpu.wait_dma2 semaphore(%run_scoped3A : memref<!tpu.dma_semaphore, #tpu.memory_space<semaphore_mem>>) src(%dma_wait3A_271 : memref<80x128xi32, #tpu.memory_space<hbm>>) dst(%arg7 : memref<80x128xi32, #tpu.memory_space<vmem>>)
      tpu.yield
    }) : () -> ()
    %dma_start3A = arith.constant 0 : i32
    %dma_start3A_3 = arith.constant 0 : i32
    %dma_start3A_4 = arith.constant 0 : i32
    %dma_start3A_5 = tpu.memref_slice %arg3[%add3A, %dma_start3A, %dma_start3A_3, %dma_start3A_4] : memref<32x10x8x128xi32, #tpu.memory_space<hbm>> -> memref<1x1x8x128xi32, #tpu.memory_space<hbm>>
    %dma_start3A_6 = tpu.memref_squeeze %dma_start3A_5 : memref<1x1x8x128xi32, #tpu.memory_space<hbm>> -> memref<8x128xi32, #tpu.memory_space<hbm>>
    %dma_start3A_7 = arith.constant 0 : i32
    %dma_start3A_8 = arith.constant 0 : i32
    %dma_start3A_9 = tpu.memref_slice %arg3[%add3A, %dma_start3A, %dma_start3A_7, %dma_start3A_8] : memref<32x10x8x128xi32, #tpu.memory_space<hbm>> -> memref<1x1x8x128xi32, #tpu.memory_space<hbm>>
    %dma_start3A_10 = tpu.memref_squeeze %dma_start3A_9 : memref<1x1x8x128xi32, #tpu.memory_space<hbm>> -> memref<8x128xi32, #tpu.memory_space<hbm>>
    tpu.enqueue_dma source(%dma_start3A_10 : memref<8x128xi32, #tpu.memory_space<hbm>>) target(%arg8 : memref<8x128xi32, #tpu.memory_space<vmem>>) target_semaphore(%arg12 : memref<!tpu.dma_semaphore, #tpu.memory_space<semaphore_mem>>)
    %barrier3A = arith.constant 0 : index
    tpu.barrier barrier_id(%barrier3A)
    %dma_wait3A = arith.constant 0 : i32
    %dma_wait3A_11 = arith.constant 0 : i32
    %dma_wait3A_12 = arith.constant 0 : i32
    %dma_wait3A_13 = tpu.memref_slice %arg3[%add3A, %dma_wait3A, %dma_wait3A_11, %dma_wait3A_12] : memref<32x10x8x128xi32, #tpu.memory_space<hbm>> -> memref<1x1x8x128xi32, #tpu.memory_space<hbm>>
    %dma_wait3A_14 = tpu.memref_squeeze %dma_wait3A_13 : memref<1x1x8x128xi32, #tpu.memory_space<hbm>> -> memref<8x128xi32, #tpu.memory_space<hbm>>
    %dma_wait3A_15 = arith.constant 0 : i32
    %dma_wait3A_16 = arith.constant 0 : i32
    %dma_wait3A_17 = tpu.memref_slice %arg3[%add3A, %dma_wait3A, %dma_wait3A_15, %dma_wait3A_16] : memref<32x10x8x128xi32, #tpu.memory_space<hbm>> -> memref<1x1x8x128xi32, #tpu.memory_space<hbm>>
    %dma_wait3A_18 = tpu.memref_squeeze %dma_wait3A_17 : memref<1x1x8x128xi32, #tpu.memory_space<hbm>> -> memref<8x128xi32, #tpu.memory_space<hbm>>
    tpu.wait_dma2 semaphore(%arg12 : memref<!tpu.dma_semaphore, #tpu.memory_space<semaphore_mem>>) src(%dma_wait3A_18 : memref<8x128xi32, #tpu.memory_space<hbm>>) dst(%arg8 : memref<8x128xi32, #tpu.memory_space<vmem>>)
    %dma_start3A_19 = arith.constant 0 : i32
    %dma_start3A_20 = arith.constant 0 : i32
    %dma_start3A_21 = tpu.memref_slice %arg8[%dma_start3A_19, %dma_start3A_20] : memref<8x128xi32, #tpu.memory_space<vmem>> -> memref<1x128xi32, #tpu.memory_space<vmem>>
    %dma_start3A_22 = tpu.memref_squeeze %dma_start3A_21 : memref<1x128xi32, #tpu.memory_space<vmem>> -> memref<128xi32, #tpu.memory_space<vmem>>
    %dma_start3A_23 = arith.constant 0 : i32
    %dma_start3A_24 = arith.constant 0 : i32
    %dma_start3A_25 = tpu.memref_slice %arg2[%dma_start3A_23, %dma_start3A_24] : memref<10000x128xf32, #tpu.memory_space<hbm>> -> memref<10000x128xf32, #tpu.memory_space<hbm>>
    tpu.enqueue_indirect_dma source(%dma_start3A_25 : memref<10000x128xf32, #tpu.memory_space<hbm>>) target(%arg9 : memref<128x128xf32, #tpu.memory_space<vmem>>) offsets(%dma_start3A_22 : memref<128xi32, #tpu.memory_space<vmem>>) semaphore(%arg13 : memref<!tpu.dma_semaphore, #tpu.memory_space<semaphore_mem>>)
    %dma_start3A_26 = arith.constant 1 : i32
    %dma_start3A_27 = arith.constant 0 : i32
    %dma_start3A_28 = tpu.memref_slice %arg8[%dma_start3A_26, %dma_start3A_27] : memref<8x128xi32, #tpu.memory_space<vmem>> -> memref<1x128xi32, #tpu.memory_space<vmem>>
    %dma_start3A_29 = tpu.memref_squeeze %dma_start3A_28 : memref<1x128xi32, #tpu.memory_space<vmem>> -> memref<128xi32, #tpu.memory_space<vmem>>
    %dma_start3A_30 = arith.constant 0 : i32
    %dma_start3A_31 = arith.constant 0 : i32
    %dma_start3A_32 = tpu.memref_slice %arg2[%dma_start3A_30, %dma_start3A_31] : memref<10000x128xf32, #tpu.memory_space<hbm>> -> memref<10000x128xf32, #tpu.memory_space<hbm>>
    tpu.enqueue_indirect_dma source(%dma_start3A_32 : memref<10000x128xf32, #tpu.memory_space<hbm>>) target(%arg10 : memref<128x128xf32, #tpu.memory_space<vmem>>) offsets(%dma_start3A_29 : memref<128xi32, #tpu.memory_space<vmem>>) semaphore(%arg14 : memref<!tpu.dma_semaphore, #tpu.memory_space<semaphore_mem>>)
    %scan3A = arith.constant 0 : i32
    %scan3A_33 = arith.constant 0 : i32
    %scan3A_34 = arith.constant 9 : i32
    %scan3A_35 = arith.addi %scan3A_33, %scan3A_34 : i32
    %scan3A_36 = arith.constant 1 : i32
    scf.for %scan3A_256 = %scan3A_33 to %scan3A_35 step %scan3A_36  : i32 {
      %mul3A_257 = arith.constant 8 : i32
      %mul3A_258 = arith.muli %scan3A_256, %mul3A_257 : i32
      %dma_wait3A_259 = arith.constant 0 : i32
      %dma_wait3A_260 = arith.constant 0 : i32
      %dma_wait3A_261 = tpu.memref_slice %arg8[%dma_wait3A_259, %dma_wait3A_260] : memref<8x128xi32, #tpu.memory_space<vmem>> -> memref<1x128xi32, #tpu.memory_space<vmem>>
      %dma_wait3A_262 = tpu.memref_squeeze %dma_wait3A_261 : memref<1x128xi32, #tpu.memory_space<vmem>> -> memref<128xi32, #tpu.memory_space<vmem>>
      %dma_wait3A_263 = arith.constant 0 : i32
      %dma_wait3A_264 = arith.constant 0 : i32
      %dma_wait3A_265 = tpu.memref_slice %arg2[%dma_wait3A_263, %dma_wait3A_264] : memref<10000x128xf32, #tpu.memory_space<hbm>> -> memref<10000x128xf32, #tpu.memory_space<hbm>>
      tpu.wait_indirect_dma semaphore(%arg13 : memref<!tpu.dma_semaphore, #tpu.memory_space<semaphore_mem>>) src(%dma_wait3A_265 : memref<10000x128xf32, #tpu.memory_space<hbm>>) dst(%arg9 : memref<128x128xf32, #tpu.memory_space<vmem>>)
      %add3A_266 = arith.constant 0 : i32
      %add3A_267 = arith.addi %mul3A_258, %add3A_266 : i32
      %dma_start3A_268 = arith.constant 0 : i32
      %dma_start3A_269 = tpu.memref_slice %arg7[%add3A_267, %dma_start3A_268] : memref<80x128xi32, #tpu.memory_space<vmem>> -> memref<1x128xi32, #tpu.memory_space<vmem>>
      %dma_start3A_270 = tpu.memref_squeeze %dma_start3A_269 : memref<1x128xi32, #tpu.memory_space<vmem>> -> memref<128xi32, #tpu.memory_space<vmem>>
      %dma_start3A_271 = arith.constant 0 : i32
      %dma_start3A_272 = arith.constant 0 : i32
      %dma_start3A_273 = tpu.memref_slice %arg11[%dma_start3A_271, %dma_start3A_272] : memref<10240x128xf32, #tpu.memory_space<vmem_shared>> -> memref<10240x128xf32, #tpu.memory_space<vmem_shared>>
      tpu.enqueue_indirect_dma source(%arg9 : memref<128x128xf32, #tpu.memory_space<vmem>>) target(%dma_start3A_273 : memref<10240x128xf32, #tpu.memory_space<vmem_shared>>) offsets(%dma_start3A_270 : memref<128xi32, #tpu.memory_space<vmem>>) semaphore(%arg15 : memref<!tpu.dma_semaphore, #tpu.memory_space<semaphore_mem>>) {add = true}
      %dma_wait3A_274 = arith.constant 0 : i32
      %dma_wait3A_275 = arith.constant 0 : i32
      %dma_wait3A_276 = tpu.memref_slice %arg7[%dma_wait3A_274, %dma_wait3A_275] : memref<80x128xi32, #tpu.memory_space<vmem>> -> memref<1x128xi32, #tpu.memory_space<vmem>>
      %dma_wait3A_277 = tpu.memref_squeeze %dma_wait3A_276 : memref<1x128xi32, #tpu.memory_space<vmem>> -> memref<128xi32, #tpu.memory_space<vmem>>
      %dma_wait3A_278 = arith.constant 0 : i32
      %dma_wait3A_279 = arith.constant 0 : i32
      %dma_wait3A_280 = tpu.memref_slice %arg11[%dma_wait3A_278, %dma_wait3A_279] : memref<10240x128xf32, #tpu.memory_space<vmem_shared>> -> memref<10240x128xf32, #tpu.memory_space<vmem_shared>>
      tpu.wait_indirect_dma semaphore(%arg15 : memref<!tpu.dma_semaphore, #tpu.memory_space<semaphore_mem>>) src(%arg9 : memref<128x128xf32, #tpu.memory_space<vmem>>) dst(%dma_wait3A_280 : memref<10240x128xf32, #tpu.memory_space<vmem_shared>>)
      %dma_start3A_281 = arith.constant 2 : i32
      %dma_start3A_282 = arith.constant 0 : i32
      %dma_start3A_283 = tpu.memref_slice %arg8[%dma_start3A_281, %dma_start3A_282] : memref<8x128xi32, #tpu.memory_space<vmem>> -> memref<1x128xi32, #tpu.memory_space<vmem>>
      %dma_start3A_284 = tpu.memref_squeeze %dma_start3A_283 : memref<1x128xi32, #tpu.memory_space<vmem>> -> memref<128xi32, #tpu.memory_space<vmem>>
      %dma_start3A_285 = arith.constant 0 : i32
      %dma_start3A_286 = arith.constant 0 : i32
      %dma_start3A_287 = tpu.memref_slice %arg2[%dma_start3A_285, %dma_start3A_286] : memref<10000x128xf32, #tpu.memory_space<hbm>> -> memref<10000x128xf32, #tpu.memory_space<hbm>>
      tpu.enqueue_indirect_dma source(%dma_start3A_287 : memref<10000x128xf32, #tpu.memory_space<hbm>>) target(%arg9 : memref<128x128xf32, #tpu.memory_space<vmem>>) offsets(%dma_start3A_284 : memref<128xi32, #tpu.memory_space<vmem>>) semaphore(%arg13 : memref<!tpu.dma_semaphore, #tpu.memory_space<semaphore_mem>>)
      %dma_wait3A_288 = arith.constant 0 : i32
      %dma_wait3A_289 = arith.constant 0 : i32
      %dma_wait3A_290 = tpu.memref_slice %arg8[%dma_wait3A_288, %dma_wait3A_289] : memref<8x128xi32, #tpu.memory_space<vmem>> -> memref<1x128xi32, #tpu.memory_space<vmem>>
      %dma_wait3A_291 = tpu.memref_squeeze %dma_wait3A_290 : memref<1x128xi32, #tpu.memory_space<vmem>> -> memref<128xi32, #tpu.memory_space<vmem>>
      %dma_wait3A_292 = arith.constant 0 : i32
      %dma_wait3A_293 = arith.constant 0 : i32
      %dma_wait3A_294 = tpu.memref_slice %arg2[%dma_wait3A_292, %dma_wait3A_293] : memref<10000x128xf32, #tpu.memory_space<hbm>> -> memref<10000x128xf32, #tpu.memory_space<hbm>>
      tpu.wait_indirect_dma semaphore(%arg14 : memref<!tpu.dma_semaphore, #tpu.memory_space<semaphore_mem>>) src(%dma_wait3A_294 : memref<10000x128xf32, #tpu.memory_space<hbm>>) dst(%arg10 : memref<128x128xf32, #tpu.memory_space<vmem>>)
      %add3A_295 = arith.constant 1 : i32
      %add3A_296 = arith.addi %mul3A_258, %add3A_295 : i32
      %dma_start3A_297 = arith.constant 0 : i32
      %dma_start3A_298 = tpu.memref_slice %arg7[%add3A_296, %dma_start3A_297] : memref<80x128xi32, #tpu.memory_space<vmem>> -> memref<1x128xi32, #tpu.memory_space<vmem>>
      %dma_start3A_299 = tpu.memref_squeeze %dma_start3A_298 : memref<1x128xi32, #tpu.memory_space<vmem>> -> memref<128xi32, #tpu.memory_space<vmem>>
      %dma_start3A_300 = arith.constant 0 : i32
      %dma_start3A_301 = arith.constant 0 : i32
      %dma_start3A_302 = tpu.memref_slice %arg11[%dma_start3A_300, %dma_start3A_301] : memref<10240x128xf32, #tpu.memory_space<vmem_shared>> -> memref<10240x128xf32, #tpu.memory_space<vmem_shared>>
      tpu.enqueue_indirect_dma source(%arg10 : memref<128x128xf32, #tpu.memory_space<vmem>>) target(%dma_start3A_302 : memref<10240x128xf32, #tpu.memory_space<vmem_shared>>) offsets(%dma_start3A_299 : memref<128xi32, #tpu.memory_space<vmem>>) semaphore(%arg16 : memref<!tpu.dma_semaphore, #tpu.memory_space<semaphore_mem>>) {add = true}
      %dma_wait3A_303 = arith.constant 0 : i32
      %dma_wait3A_304 = arith.constant 0 : i32
      %dma_wait3A_305 = tpu.memref_slice %arg7[%dma_wait3A_303, %dma_wait3A_304] : memref<80x128xi32, #tpu.memory_space<vmem>> -> memref<1x128xi32, #tpu.memory_space<vmem>>
      %dma_wait3A_306 = tpu.memref_squeeze %dma_wait3A_305 : memref<1x128xi32, #tpu.memory_space<vmem>> -> memref<128xi32, #tpu.memory_space<vmem>>
      %dma_wait3A_307 = arith.constant 0 : i32
      %dma_wait3A_308 = arith.constant 0 : i32
      %dma_wait3A_309 = tpu.memref_slice %arg11[%dma_wait3A_307, %dma_wait3A_308] : memref<10240x128xf32, #tpu.memory_space<vmem_shared>> -> memref<10240x128xf32, #tpu.memory_space<vmem_shared>>
      tpu.wait_indirect_dma semaphore(%arg16 : memref<!tpu.dma_semaphore, #tpu.memory_space<semaphore_mem>>) src(%arg10 : memref<128x128xf32, #tpu.memory_space<vmem>>) dst(%dma_wait3A_309 : memref<10240x128xf32, #tpu.memory_space<vmem_shared>>)
      %dma_start3A_310 = arith.constant 3 : i32
      %dma_start3A_311 = arith.constant 0 : i32
      %dma_start3A_312 = tpu.memref_slice %arg8[%dma_start3A_310, %dma_start3A_311] : memref<8x128xi32, #tpu.memory_space<vmem>> -> memref<1x128xi32, #tpu.memory_space<vmem>>
      %dma_start3A_313 = tpu.memref_squeeze %dma_start3A_312 : memref<1x128xi32, #tpu.memory_space<vmem>> -> memref<128xi32, #tpu.memory_space<vmem>>
      %dma_start3A_314 = arith.constant 0 : i32
      %dma_start3A_315 = arith.constant 0 : i32
      %dma_start3A_316 = tpu.memref_slice %arg2[%dma_start3A_314, %dma_start3A_315] : memref<10000x128xf32, #tpu.memory_space<hbm>> -> memref<10000x128xf32, #tpu.memory_space<hbm>>
      tpu.enqueue_indirect_dma source(%dma_start3A_316 : memref<10000x128xf32, #tpu.memory_space<hbm>>) target(%arg10 : memref<128x128xf32, #tpu.memory_space<vmem>>) offsets(%dma_start3A_313 : memref<128xi32, #tpu.memory_space<vmem>>) semaphore(%arg14 : memref<!tpu.dma_semaphore, #tpu.memory_space<semaphore_mem>>)
      %dma_wait3A_317 = arith.constant 0 : i32
      %dma_wait3A_318 = arith.constant 0 : i32
      %dma_wait3A_319 = tpu.memref_slice %arg8[%dma_wait3A_317, %dma_wait3A_318] : memref<8x128xi32, #tpu.memory_space<vmem>> -> memref<1x128xi32, #tpu.memory_space<vmem>>
      %dma_wait3A_320 = tpu.memref_squeeze %dma_wait3A_319 : memref<1x128xi32, #tpu.memory_space<vmem>> -> memref<128xi32, #tpu.memory_space<vmem>>
      %dma_wait3A_321 = arith.constant 0 : i32
      %dma_wait3A_322 = arith.constant 0 : i32
      %dma_wait3A_323 = tpu.memref_slice %arg2[%dma_wait3A_321, %dma_wait3A_322] : memref<10000x128xf32, #tpu.memory_space<hbm>> -> memref<10000x128xf32, #tpu.memory_space<hbm>>
      tpu.wait_indirect_dma semaphore(%arg13 : memref<!tpu.dma_semaphore, #tpu.memory_space<semaphore_mem>>) src(%dma_wait3A_323 : memref<10000x128xf32, #tpu.memory_space<hbm>>) dst(%arg9 : memref<128x128xf32, #tpu.memory_space<vmem>>)
      %add3A_324 = arith.constant 2 : i32
      %add3A_325 = arith.addi %mul3A_258, %add3A_324 : i32
      %dma_start3A_326 = arith.constant 0 : i32
      %dma_start3A_327 = tpu.memref_slice %arg7[%add3A_325, %dma_start3A_326] : memref<80x128xi32, #tpu.memory_space<vmem>> -> memref<1x128xi32, #tpu.memory_space<vmem>>
      %dma_start3A_328 = tpu.memref_squeeze %dma_start3A_327 : memref<1x128xi32, #tpu.memory_space<vmem>> -> memref<128xi32, #tpu.memory_space<vmem>>
      %dma_start3A_329 = arith.constant 0 : i32
      %dma_start3A_330 = arith.constant 0 : i32
      %dma_start3A_331 = tpu.memref_slice %arg11[%dma_start3A_329, %dma_start3A_330] : memref<10240x128xf32, #tpu.memory_space<vmem_shared>> -> memref<10240x128xf32, #tpu.memory_space<vmem_shared>>
      tpu.enqueue_indirect_dma source(%arg9 : memref<128x128xf32, #tpu.memory_space<vmem>>) target(%dma_start3A_331 : memref<10240x128xf32, #tpu.memory_space<vmem_shared>>) offsets(%dma_start3A_328 : memref<128xi32, #tpu.memory_space<vmem>>) semaphore(%arg15 : memref<!tpu.dma_semaphore, #tpu.memory_space<semaphore_mem>>) {add = true}
      %dma_wait3A_332 = arith.constant 0 : i32
      %dma_wait3A_333 = arith.constant 0 : i32
      %dma_wait3A_334 = tpu.memref_slice %arg7[%dma_wait3A_332, %dma_wait3A_333] : memref<80x128xi32, #tpu.memory_space<vmem>> -> memref<1x128xi32, #tpu.memory_space<vmem>>
      %dma_wait3A_335 = tpu.memref_squeeze %dma_wait3A_334 : memref<1x128xi32, #tpu.memory_space<vmem>> -> memref<128xi32, #tpu.memory_space<vmem>>
      %dma_wait3A_336 = arith.constant 0 : i32
      %dma_wait3A_337 = arith.constant 0 : i32
      %dma_wait3A_338 = tpu.memref_slice %arg11[%dma_wait3A_336, %dma_wait3A_337] : memref<10240x128xf32, #tpu.memory_space<vmem_shared>> -> memref<10240x128xf32, #tpu.memory_space<vmem_shared>>
      tpu.wait_indirect_dma semaphore(%arg15 : memref<!tpu.dma_semaphore, #tpu.memory_space<semaphore_mem>>) src(%arg9 : memref<128x128xf32, #tpu.memory_space<vmem>>) dst(%dma_wait3A_338 : memref<10240x128xf32, #tpu.memory_space<vmem_shared>>)
      %dma_start3A_339 = arith.constant 4 : i32
      %dma_start3A_340 = arith.constant 0 : i32
      %dma_start3A_341 = tpu.memref_slice %arg8[%dma_start3A_339, %dma_start3A_340] : memref<8x128xi32, #tpu.memory_space<vmem>> -> memref<1x128xi32, #tpu.memory_space<vmem>>
      %dma_start3A_342 = tpu.memref_squeeze %dma_start3A_341 : memref<1x128xi32, #tpu.memory_space<vmem>> -> memref<128xi32, #tpu.memory_space<vmem>>
      %dma_start3A_343 = arith.constant 0 : i32
      %dma_start3A_344 = arith.constant 0 : i32
      %dma_start3A_345 = tpu.memref_slice %arg2[%dma_start3A_343, %dma_start3A_344] : memref<10000x128xf32, #tpu.memory_space<hbm>> -> memref<10000x128xf32, #tpu.memory_space<hbm>>
      tpu.enqueue_indirect_dma source(%dma_start3A_345 : memref<10000x128xf32, #tpu.memory_space<hbm>>) target(%arg9 : memref<128x128xf32, #tpu.memory_space<vmem>>) offsets(%dma_start3A_342 : memref<128xi32, #tpu.memory_space<vmem>>) semaphore(%arg13 : memref<!tpu.dma_semaphore, #tpu.memory_space<semaphore_mem>>)
      %dma_wait3A_346 = arith.constant 0 : i32
      %dma_wait3A_347 = arith.constant 0 : i32
      %dma_wait3A_348 = tpu.memref_slice %arg8[%dma_wait3A_346, %dma_wait3A_347] : memref<8x128xi32, #tpu.memory_space<vmem>> -> memref<1x128xi32, #tpu.memory_space<vmem>>
      %dma_wait3A_349 = tpu.memref_squeeze %dma_wait3A_348 : memref<1x128xi32, #tpu.memory_space<vmem>> -> memref<128xi32, #tpu.memory_space<vmem>>
      %dma_wait3A_350 = arith.constant 0 : i32
      %dma_wait3A_351 = arith.constant 0 : i32
      %dma_wait3A_352 = tpu.memref_slice %arg2[%dma_wait3A_350, %dma_wait3A_351] : memref<10000x128xf32, #tpu.memory_space<hbm>> -> memref<10000x128xf32, #tpu.memory_space<hbm>>
      tpu.wait_indirect_dma semaphore(%arg14 : memref<!tpu.dma_semaphore, #tpu.memory_space<semaphore_mem>>) src(%dma_wait3A_352 : memref<10000x128xf32, #tpu.memory_space<hbm>>) dst(%arg10 : memref<128x128xf32, #tpu.memory_space<vmem>>)
      %add3A_353 = arith.constant 3 : i32
      %add3A_354 = arith.addi %mul3A_258, %add3A_353 : i32
      %dma_start3A_355 = arith.constant 0 : i32
      %dma_start3A_356 = tpu.memref_slice %arg7[%add3A_354, %dma_start3A_355] : memref<80x128xi32, #tpu.memory_space<vmem>> -> memref<1x128xi32, #tpu.memory_space<vmem>>
      %dma_start3A_357 = tpu.memref_squeeze %dma_start3A_356 : memref<1x128xi32, #tpu.memory_space<vmem>> -> memref<128xi32, #tpu.memory_space<vmem>>
      %dma_start3A_358 = arith.constant 0 : i32
      %dma_start3A_359 = arith.constant 0 : i32
      %dma_start3A_360 = tpu.memref_slice %arg11[%dma_start3A_358, %dma_start3A_359] : memref<10240x128xf32, #tpu.memory_space<vmem_shared>> -> memref<10240x128xf32, #tpu.memory_space<vmem_shared>>
      tpu.enqueue_indirect_dma source(%arg10 : memref<128x128xf32, #tpu.memory_space<vmem>>) target(%dma_start3A_360 : memref<10240x128xf32, #tpu.memory_space<vmem_shared>>) offsets(%dma_start3A_357 : memref<128xi32, #tpu.memory_space<vmem>>) semaphore(%arg16 : memref<!tpu.dma_semaphore, #tpu.memory_space<semaphore_mem>>) {add = true}
      %dma_wait3A_361 = arith.constant 0 : i32
      %dma_wait3A_362 = arith.constant 0 : i32
      %dma_wait3A_363 = tpu.memref_slice %arg7[%dma_wait3A_361, %dma_wait3A_362] : memref<80x128xi32, #tpu.memory_space<vmem>> -> memref<1x128xi32, #tpu.memory_space<vmem>>
      %dma_wait3A_364 = tpu.memref_squeeze %dma_wait3A_363 : memref<1x128xi32, #tpu.memory_space<vmem>> -> memref<128xi32, #tpu.memory_space<vmem>>
      %dma_wait3A_365 = arith.constant 0 : i32
      %dma_wait3A_366 = arith.constant 0 : i32
      %dma_wait3A_367 = tpu.memref_slice %arg11[%dma_wait3A_365, %dma_wait3A_366] : memref<10240x128xf32, #tpu.memory_space<vmem_shared>> -> memref<10240x128xf32, #tpu.memory_space<vmem_shared>>
      tpu.wait_indirect_dma semaphore(%arg16 : memref<!tpu.dma_semaphore, #tpu.memory_space<semaphore_mem>>) src(%arg10 : memref<128x128xf32, #tpu.memory_space<vmem>>) dst(%dma_wait3A_367 : memref<10240x128xf32, #tpu.memory_space<vmem_shared>>)
      %dma_start3A_368 = arith.constant 5 : i32
      %dma_start3A_369 = arith.constant 0 : i32
      %dma_start3A_370 = tpu.memref_slice %arg8[%dma_start3A_368, %dma_start3A_369] : memref<8x128xi32, #tpu.memory_space<vmem>> -> memref<1x128xi32, #tpu.memory_space<vmem>>
      %dma_start3A_371 = tpu.memref_squeeze %dma_start3A_370 : memref<1x128xi32, #tpu.memory_space<vmem>> -> memref<128xi32, #tpu.memory_space<vmem>>
      %dma_start3A_372 = arith.constant 0 : i32
      %dma_start3A_373 = arith.constant 0 : i32
      %dma_start3A_374 = tpu.memref_slice %arg2[%dma_start3A_372, %dma_start3A_373] : memref<10000x128xf32, #tpu.memory_space<hbm>> -> memref<10000x128xf32, #tpu.memory_space<hbm>>
      tpu.enqueue_indirect_dma source(%dma_start3A_374 : memref<10000x128xf32, #tpu.memory_space<hbm>>) target(%arg10 : memref<128x128xf32, #tpu.memory_space<vmem>>) offsets(%dma_start3A_371 : memref<128xi32, #tpu.memory_space<vmem>>) semaphore(%arg14 : memref<!tpu.dma_semaphore, #tpu.memory_space<semaphore_mem>>)
      %dma_wait3A_375 = arith.constant 0 : i32
      %dma_wait3A_376 = arith.constant 0 : i32
      %dma_wait3A_377 = tpu.memref_slice %arg8[%dma_wait3A_375, %dma_wait3A_376] : memref<8x128xi32, #tpu.memory_space<vmem>> -> memref<1x128xi32, #tpu.memory_space<vmem>>
      %dma_wait3A_378 = tpu.memref_squeeze %dma_wait3A_377 : memref<1x128xi32, #tpu.memory_space<vmem>> -> memref<128xi32, #tpu.memory_space<vmem>>
      %dma_wait3A_379 = arith.constant 0 : i32
      %dma_wait3A_380 = arith.constant 0 : i32
      %dma_wait3A_381 = tpu.memref_slice %arg2[%dma_wait3A_379, %dma_wait3A_380] : memref<10000x128xf32, #tpu.memory_space<hbm>> -> memref<10000x128xf32, #tpu.memory_space<hbm>>
      tpu.wait_indirect_dma semaphore(%arg13 : memref<!tpu.dma_semaphore, #tpu.memory_space<semaphore_mem>>) src(%dma_wait3A_381 : memref<10000x128xf32, #tpu.memory_space<hbm>>) dst(%arg9 : memref<128x128xf32, #tpu.memory_space<vmem>>)
      %add3A_382 = arith.constant 4 : i32
      %add3A_383 = arith.addi %mul3A_258, %add3A_382 : i32
      %dma_start3A_384 = arith.constant 0 : i32
      %dma_start3A_385 = tpu.memref_slice %arg7[%add3A_383, %dma_start3A_384] : memref<80x128xi32, #tpu.memory_space<vmem>> -> memref<1x128xi32, #tpu.memory_space<vmem>>
      %dma_start3A_386 = tpu.memref_squeeze %dma_start3A_385 : memref<1x128xi32, #tpu.memory_space<vmem>> -> memref<128xi32, #tpu.memory_space<vmem>>
      %dma_start3A_387 = arith.constant 0 : i32
      %dma_start3A_388 = arith.constant 0 : i32
      %dma_start3A_389 = tpu.memref_slice %arg11[%dma_start3A_387, %dma_start3A_388] : memref<10240x128xf32, #tpu.memory_space<vmem_shared>> -> memref<10240x128xf32, #tpu.memory_space<vmem_shared>>
      tpu.enqueue_indirect_dma source(%arg9 : memref<128x128xf32, #tpu.memory_space<vmem>>) target(%dma_start3A_389 : memref<10240x128xf32, #tpu.memory_space<vmem_shared>>) offsets(%dma_start3A_386 : memref<128xi32, #tpu.memory_space<vmem>>) semaphore(%arg15 : memref<!tpu.dma_semaphore, #tpu.memory_space<semaphore_mem>>) {add = true}
      %dma_wait3A_390 = arith.constant 0 : i32
      %dma_wait3A_391 = arith.constant 0 : i32
      %dma_wait3A_392 = tpu.memref_slice %arg7[%dma_wait3A_390, %dma_wait3A_391] : memref<80x128xi32, #tpu.memory_space<vmem>> -> memref<1x128xi32, #tpu.memory_space<vmem>>
      %dma_wait3A_393 = tpu.memref_squeeze %dma_wait3A_392 : memref<1x128xi32, #tpu.memory_space<vmem>> -> memref<128xi32, #tpu.memory_space<vmem>>
      %dma_wait3A_394 = arith.constant 0 : i32
      %dma_wait3A_395 = arith.constant 0 : i32
      %dma_wait3A_396 = tpu.memref_slice %arg11[%dma_wait3A_394, %dma_wait3A_395] : memref<10240x128xf32, #tpu.memory_space<vmem_shared>> -> memref<10240x128xf32, #tpu.memory_space<vmem_shared>>
      tpu.wait_indirect_dma semaphore(%arg15 : memref<!tpu.dma_semaphore, #tpu.memory_space<semaphore_mem>>) src(%arg9 : memref<128x128xf32, #tpu.memory_space<vmem>>) dst(%dma_wait3A_396 : memref<10240x128xf32, #tpu.memory_space<vmem_shared>>)
      %dma_start3A_397 = arith.constant 6 : i32
      %dma_start3A_398 = arith.constant 0 : i32
      %dma_start3A_399 = tpu.memref_slice %arg8[%dma_start3A_397, %dma_start3A_398] : memref<8x128xi32, #tpu.memory_space<vmem>> -> memref<1x128xi32, #tpu.memory_space<vmem>>
      %dma_start3A_400 = tpu.memref_squeeze %dma_start3A_399 : memref<1x128xi32, #tpu.memory_space<vmem>> -> memref<128xi32, #tpu.memory_space<vmem>>
      %dma_start3A_401 = arith.constant 0 : i32
      %dma_start3A_402 = arith.constant 0 : i32
      %dma_start3A_403 = tpu.memref_slice %arg2[%dma_start3A_401, %dma_start3A_402] : memref<10000x128xf32, #tpu.memory_space<hbm>> -> memref<10000x128xf32, #tpu.memory_space<hbm>>
      tpu.enqueue_indirect_dma source(%dma_start3A_403 : memref<10000x128xf32, #tpu.memory_space<hbm>>) target(%arg9 : memref<128x128xf32, #tpu.memory_space<vmem>>) offsets(%dma_start3A_400 : memref<128xi32, #tpu.memory_space<vmem>>) semaphore(%arg13 : memref<!tpu.dma_semaphore, #tpu.memory_space<semaphore_mem>>)
      %dma_wait3A_404 = arith.constant 0 : i32
      %dma_wait3A_405 = arith.constant 0 : i32
      %dma_wait3A_406 = tpu.memref_slice %arg8[%dma_wait3A_404, %dma_wait3A_405] : memref<8x128xi32, #tpu.memory_space<vmem>> -> memref<1x128xi32, #tpu.memory_space<vmem>>
      %dma_wait3A_407 = tpu.memref_squeeze %dma_wait3A_406 : memref<1x128xi32, #tpu.memory_space<vmem>> -> memref<128xi32, #tpu.memory_space<vmem>>
      %dma_wait3A_408 = arith.constant 0 : i32
      %dma_wait3A_409 = arith.constant 0 : i32
      %dma_wait3A_410 = tpu.memref_slice %arg2[%dma_wait3A_408, %dma_wait3A_409] : memref<10000x128xf32, #tpu.memory_space<hbm>> -> memref<10000x128xf32, #tpu.memory_space<hbm>>
      tpu.wait_indirect_dma semaphore(%arg14 : memref<!tpu.dma_semaphore, #tpu.memory_space<semaphore_mem>>) src(%dma_wait3A_410 : memref<10000x128xf32, #tpu.memory_space<hbm>>) dst(%arg10 : memref<128x128xf32, #tpu.memory_space<vmem>>)
      %add3A_411 = arith.constant 5 : i32
      %add3A_412 = arith.addi %mul3A_258, %add3A_411 : i32
      %dma_start3A_413 = arith.constant 0 : i32
      %dma_start3A_414 = tpu.memref_slice %arg7[%add3A_412, %dma_start3A_413] : memref<80x128xi32, #tpu.memory_space<vmem>> -> memref<1x128xi32, #tpu.memory_space<vmem>>
      %dma_start3A_415 = tpu.memref_squeeze %dma_start3A_414 : memref<1x128xi32, #tpu.memory_space<vmem>> -> memref<128xi32, #tpu.memory_space<vmem>>
      %dma_start3A_416 = arith.constant 0 : i32
      %dma_start3A_417 = arith.constant 0 : i32
      %dma_start3A_418 = tpu.memref_slice %arg11[%dma_start3A_416, %dma_start3A_417] : memref<10240x128xf32, #tpu.memory_space<vmem_shared>> -> memref<10240x128xf32, #tpu.memory_space<vmem_shared>>
      tpu.enqueue_indirect_dma source(%arg10 : memref<128x128xf32, #tpu.memory_space<vmem>>) target(%dma_start3A_418 : memref<10240x128xf32, #tpu.memory_space<vmem_shared>>) offsets(%dma_start3A_415 : memref<128xi32, #tpu.memory_space<vmem>>) semaphore(%arg16 : memref<!tpu.dma_semaphore, #tpu.memory_space<semaphore_mem>>) {add = true}
      %dma_wait3A_419 = arith.constant 0 : i32
      %dma_wait3A_420 = arith.constant 0 : i32
      %dma_wait3A_421 = tpu.memref_slice %arg7[%dma_wait3A_419, %dma_wait3A_420] : memref<80x128xi32, #tpu.memory_space<vmem>> -> memref<1x128xi32, #tpu.memory_space<vmem>>
      %dma_wait3A_422 = tpu.memref_squeeze %dma_wait3A_421 : memref<1x128xi32, #tpu.memory_space<vmem>> -> memref<128xi32, #tpu.memory_space<vmem>>
      %dma_wait3A_423 = arith.constant 0 : i32
      %dma_wait3A_424 = arith.constant 0 : i32
      %dma_wait3A_425 = tpu.memref_slice %arg11[%dma_wait3A_423, %dma_wait3A_424] : memref<10240x128xf32, #tpu.memory_space<vmem_shared>> -> memref<10240x128xf32, #tpu.memory_space<vmem_shared>>
      tpu.wait_indirect_dma semaphore(%arg16 : memref<!tpu.dma_semaphore, #tpu.memory_space<semaphore_mem>>) src(%arg10 : memref<128x128xf32, #tpu.memory_space<vmem>>) dst(%dma_wait3A_425 : memref<10240x128xf32, #tpu.memory_space<vmem_shared>>)
      %dma_start3A_426 = arith.constant 7 : i32
      %dma_start3A_427 = arith.constant 0 : i32
      %dma_start3A_428 = tpu.memref_slice %arg8[%dma_start3A_426, %dma_start3A_427] : memref<8x128xi32, #tpu.memory_space<vmem>> -> memref<1x128xi32, #tpu.memory_space<vmem>>
      %dma_start3A_429 = tpu.memref_squeeze %dma_start3A_428 : memref<1x128xi32, #tpu.memory_space<vmem>> -> memref<128xi32, #tpu.memory_space<vmem>>
      %dma_start3A_430 = arith.constant 0 : i32
      %dma_start3A_431 = arith.constant 0 : i32
      %dma_start3A_432 = tpu.memref_slice %arg2[%dma_start3A_430, %dma_start3A_431] : memref<10000x128xf32, #tpu.memory_space<hbm>> -> memref<10000x128xf32, #tpu.memory_space<hbm>>
      tpu.enqueue_indirect_dma source(%dma_start3A_432 : memref<10000x128xf32, #tpu.memory_space<hbm>>) target(%arg10 : memref<128x128xf32, #tpu.memory_space<vmem>>) offsets(%dma_start3A_429 : memref<128xi32, #tpu.memory_space<vmem>>) semaphore(%arg14 : memref<!tpu.dma_semaphore, #tpu.memory_space<semaphore_mem>>)
      %dma_wait3A_433 = arith.constant 0 : i32
      %dma_wait3A_434 = arith.constant 0 : i32
      %dma_wait3A_435 = tpu.memref_slice %arg8[%dma_wait3A_433, %dma_wait3A_434] : memref<8x128xi32, #tpu.memory_space<vmem>> -> memref<1x128xi32, #tpu.memory_space<vmem>>
      %dma_wait3A_436 = tpu.memref_squeeze %dma_wait3A_435 : memref<1x128xi32, #tpu.memory_space<vmem>> -> memref<128xi32, #tpu.memory_space<vmem>>
      %dma_wait3A_437 = arith.constant 0 : i32
      %dma_wait3A_438 = arith.constant 0 : i32
      %dma_wait3A_439 = tpu.memref_slice %arg2[%dma_wait3A_437, %dma_wait3A_438] : memref<10000x128xf32, #tpu.memory_space<hbm>> -> memref<10000x128xf32, #tpu.memory_space<hbm>>
      tpu.wait_indirect_dma semaphore(%arg13 : memref<!tpu.dma_semaphore, #tpu.memory_space<semaphore_mem>>) src(%dma_wait3A_439 : memref<10000x128xf32, #tpu.memory_space<hbm>>) dst(%arg9 : memref<128x128xf32, #tpu.memory_space<vmem>>)
      %add3A_440 = arith.constant 6 : i32
      %add3A_441 = arith.addi %mul3A_258, %add3A_440 : i32
      %dma_start3A_442 = arith.constant 0 : i32
      %dma_start3A_443 = tpu.memref_slice %arg7[%add3A_441, %dma_start3A_442] : memref<80x128xi32, #tpu.memory_space<vmem>> -> memref<1x128xi32, #tpu.memory_space<vmem>>
      %dma_start3A_444 = tpu.memref_squeeze %dma_start3A_443 : memref<1x128xi32, #tpu.memory_space<vmem>> -> memref<128xi32, #tpu.memory_space<vmem>>
      %dma_start3A_445 = arith.constant 0 : i32
      %dma_start3A_446 = arith.constant 0 : i32
      %dma_start3A_447 = tpu.memref_slice %arg11[%dma_start3A_445, %dma_start3A_446] : memref<10240x128xf32, #tpu.memory_space<vmem_shared>> -> memref<10240x128xf32, #tpu.memory_space<vmem_shared>>
      tpu.enqueue_indirect_dma source(%arg9 : memref<128x128xf32, #tpu.memory_space<vmem>>) target(%dma_start3A_447 : memref<10240x128xf32, #tpu.memory_space<vmem_shared>>) offsets(%dma_start3A_444 : memref<128xi32, #tpu.memory_space<vmem>>) semaphore(%arg15 : memref<!tpu.dma_semaphore, #tpu.memory_space<semaphore_mem>>) {add = true}
      %dma_wait3A_448 = arith.constant 0 : i32
      %dma_wait3A_449 = arith.constant 0 : i32
      %dma_wait3A_450 = tpu.memref_slice %arg8[%dma_wait3A_448, %dma_wait3A_449] : memref<8x128xi32, #tpu.memory_space<vmem>> -> memref<1x128xi32, #tpu.memory_space<vmem>>
      %dma_wait3A_451 = tpu.memref_squeeze %dma_wait3A_450 : memref<1x128xi32, #tpu.memory_space<vmem>> -> memref<128xi32, #tpu.memory_space<vmem>>
      %dma_wait3A_452 = arith.constant 0 : i32
      %dma_wait3A_453 = arith.constant 0 : i32
      %dma_wait3A_454 = tpu.memref_slice %arg2[%dma_wait3A_452, %dma_wait3A_453] : memref<10000x128xf32, #tpu.memory_space<hbm>> -> memref<10000x128xf32, #tpu.memory_space<hbm>>
      tpu.wait_indirect_dma semaphore(%arg14 : memref<!tpu.dma_semaphore, #tpu.memory_space<semaphore_mem>>) src(%dma_wait3A_454 : memref<10000x128xf32, #tpu.memory_space<hbm>>) dst(%arg10 : memref<128x128xf32, #tpu.memory_space<vmem>>)
      %add3A_455 = arith.constant 1 : i32
      %add3A_456 = arith.addi %scan3A_256, %add3A_455 : i32
      %dma_start3A_457 = arith.constant 0 : i32
      %dma_start3A_458 = arith.constant 0 : i32
      %dma_start3A_459 = tpu.memref_slice %arg3[%add3A, %add3A_456, %dma_start3A_457, %dma_start3A_458] : memref<32x10x8x128xi32, #tpu.memory_space<hbm>> -> memref<1x1x8x128xi32, #tpu.memory_space<hbm>>
      %dma_start3A_460 = tpu.memref_squeeze %dma_start3A_459 : memref<1x1x8x128xi32, #tpu.memory_space<hbm>> -> memref<8x128xi32, #tpu.memory_space<hbm>>
      %dma_start3A_461 = arith.constant 0 : i32
      %dma_start3A_462 = arith.constant 0 : i32
      %dma_start3A_463 = tpu.memref_slice %arg3[%add3A, %add3A_456, %dma_start3A_461, %dma_start3A_462] : memref<32x10x8x128xi32, #tpu.memory_space<hbm>> -> memref<1x1x8x128xi32, #tpu.memory_space<hbm>>
      %dma_start3A_464 = tpu.memref_squeeze %dma_start3A_463 : memref<1x1x8x128xi32, #tpu.memory_space<hbm>> -> memref<8x128xi32, #tpu.memory_space<hbm>>
      tpu.enqueue_dma source(%dma_start3A_464 : memref<8x128xi32, #tpu.memory_space<hbm>>) target(%arg8 : memref<8x128xi32, #tpu.memory_space<vmem>>) target_semaphore(%arg12 : memref<!tpu.dma_semaphore, #tpu.memory_space<semaphore_mem>>)
      %add3A_465 = arith.constant 7 : i32
      %add3A_466 = arith.addi %mul3A_258, %add3A_465 : i32
      %dma_start3A_467 = arith.constant 0 : i32
      %dma_start3A_468 = tpu.memref_slice %arg7[%add3A_466, %dma_start3A_467] : memref<80x128xi32, #tpu.memory_space<vmem>> -> memref<1x128xi32, #tpu.memory_space<vmem>>
      %dma_start3A_469 = tpu.memref_squeeze %dma_start3A_468 : memref<1x128xi32, #tpu.memory_space<vmem>> -> memref<128xi32, #tpu.memory_space<vmem>>
      %dma_start3A_470 = arith.constant 0 : i32
      %dma_start3A_471 = arith.constant 0 : i32
      %dma_start3A_472 = tpu.memref_slice %arg11[%dma_start3A_470, %dma_start3A_471] : memref<10240x128xf32, #tpu.memory_space<vmem_shared>> -> memref<10240x128xf32, #tpu.memory_space<vmem_shared>>
      tpu.enqueue_indirect_dma source(%arg10 : memref<128x128xf32, #tpu.memory_space<vmem>>) target(%dma_start3A_472 : memref<10240x128xf32, #tpu.memory_space<vmem_shared>>) offsets(%dma_start3A_469 : memref<128xi32, #tpu.memory_space<vmem>>) semaphore(%arg16 : memref<!tpu.dma_semaphore, #tpu.memory_space<semaphore_mem>>) {add = true}
      %dma_wait3A_473 = arith.constant 0 : i32
      %dma_wait3A_474 = arith.constant 0 : i32
      %dma_wait3A_475 = tpu.memref_slice %arg7[%dma_wait3A_473, %dma_wait3A_474] : memref<80x128xi32, #tpu.memory_space<vmem>> -> memref<1x128xi32, #tpu.memory_space<vmem>>
      %dma_wait3A_476 = tpu.memref_squeeze %dma_wait3A_475 : memref<1x128xi32, #tpu.memory_space<vmem>> -> memref<128xi32, #tpu.memory_space<vmem>>
      %dma_wait3A_477 = arith.constant 0 : i32
      %dma_wait3A_478 = arith.constant 0 : i32
      %dma_wait3A_479 = tpu.memref_slice %arg11[%dma_wait3A_477, %dma_wait3A_478] : memref<10240x128xf32, #tpu.memory_space<vmem_shared>> -> memref<10240x128xf32, #tpu.memory_space<vmem_shared>>
      tpu.wait_indirect_dma semaphore(%arg15 : memref<!tpu.dma_semaphore, #tpu.memory_space<semaphore_mem>>) src(%arg9 : memref<128x128xf32, #tpu.memory_space<vmem>>) dst(%dma_wait3A_479 : memref<10240x128xf32, #tpu.memory_space<vmem_shared>>)
      %dma_wait3A_480 = arith.constant 0 : i32
      %dma_wait3A_481 = arith.constant 0 : i32
      %dma_wait3A_482 = tpu.memref_slice %arg7[%dma_wait3A_480, %dma_wait3A_481] : memref<80x128xi32, #tpu.memory_space<vmem>> -> memref<1x128xi32, #tpu.memory_space<vmem>>
      %dma_wait3A_483 = tpu.memref_squeeze %dma_wait3A_482 : memref<1x128xi32, #tpu.memory_space<vmem>> -> memref<128xi32, #tpu.memory_space<vmem>>
      %dma_wait3A_484 = arith.constant 0 : i32
      %dma_wait3A_485 = arith.constant 0 : i32
      %dma_wait3A_486 = tpu.memref_slice %arg11[%dma_wait3A_484, %dma_wait3A_485] : memref<10240x128xf32, #tpu.memory_space<vmem_shared>> -> memref<10240x128xf32, #tpu.memory_space<vmem_shared>>
      tpu.wait_indirect_dma semaphore(%arg16 : memref<!tpu.dma_semaphore, #tpu.memory_space<semaphore_mem>>) src(%arg10 : memref<128x128xf32, #tpu.memory_space<vmem>>) dst(%dma_wait3A_486 : memref<10240x128xf32, #tpu.memory_space<vmem_shared>>)
      %dma_wait3A_487 = arith.constant 0 : i32
      %dma_wait3A_488 = arith.constant 0 : i32
      %dma_wait3A_489 = arith.constant 0 : i32
      %dma_wait3A_490 = tpu.memref_slice %arg3[%add3A, %dma_wait3A_487, %dma_wait3A_488, %dma_wait3A_489] : memref<32x10x8x128xi32, #tpu.memory_space<hbm>> -> memref<1x1x8x128xi32, #tpu.memory_space<hbm>>
      %dma_wait3A_491 = tpu.memref_squeeze %dma_wait3A_490 : memref<1x1x8x128xi32, #tpu.memory_space<hbm>> -> memref<8x128xi32, #tpu.memory_space<hbm>>
      %dma_wait3A_492 = arith.constant 0 : i32
      %dma_wait3A_493 = arith.constant 0 : i32
      %dma_wait3A_494 = tpu.memref_slice %arg3[%add3A, %dma_wait3A_487, %dma_wait3A_492, %dma_wait3A_493] : memref<32x10x8x128xi32, #tpu.memory_space<hbm>> -> memref<1x1x8x128xi32, #tpu.memory_space<hbm>>
      %dma_wait3A_495 = tpu.memref_squeeze %dma_wait3A_494 : memref<1x1x8x128xi32, #tpu.memory_space<hbm>> -> memref<8x128xi32, #tpu.memory_space<hbm>>
      tpu.wait_dma2 semaphore(%arg12 : memref<!tpu.dma_semaphore, #tpu.memory_space<semaphore_mem>>) src(%dma_wait3A_495 : memref<8x128xi32, #tpu.memory_space<hbm>>) dst(%arg8 : memref<8x128xi32, #tpu.memory_space<vmem>>)
      %dma_start3A_496 = arith.constant 0 : i32
      %dma_start3A_497 = arith.constant 0 : i32
      %dma_start3A_498 = tpu.memref_slice %arg8[%dma_start3A_496, %dma_start3A_497] : memref<8x128xi32, #tpu.memory_space<vmem>> -> memref<1x128xi32, #tpu.memory_space<vmem>>
      %dma_start3A_499 = tpu.memref_squeeze %dma_start3A_498 : memref<1x128xi32, #tpu.memory_space<vmem>> -> memref<128xi32, #tpu.memory_space<vmem>>
      %dma_start3A_500 = arith.constant 0 : i32
      %dma_start3A_501 = arith.constant 0 : i32
      %dma_start3A_502 = tpu.memref_slice %arg2[%dma_start3A_500, %dma_start3A_501] : memref<10000x128xf32, #tpu.memory_space<hbm>> -> memref<10000x128xf32, #tpu.memory_space<hbm>>
      tpu.enqueue_indirect_dma source(%dma_start3A_502 : memref<10000x128xf32, #tpu.memory_space<hbm>>) target(%arg9 : memref<128x128xf32, #tpu.memory_space<vmem>>) offsets(%dma_start3A_499 : memref<128xi32, #tpu.memory_space<vmem>>) semaphore(%arg13 : memref<!tpu.dma_semaphore, #tpu.memory_space<semaphore_mem>>)
      %dma_start3A_503 = arith.constant 1 : i32
      %dma_start3A_504 = arith.constant 0 : i32
      %dma_start3A_505 = tpu.memref_slice %arg8[%dma_start3A_503, %dma_start3A_504] : memref<8x128xi32, #tpu.memory_space<vmem>> -> memref<1x128xi32, #tpu.memory_space<vmem>>
      %dma_start3A_506 = tpu.memref_squeeze %dma_start3A_505 : memref<1x128xi32, #tpu.memory_space<vmem>> -> memref<128xi32, #tpu.memory_space<vmem>>
      %dma_start3A_507 = arith.constant 0 : i32
      %dma_start3A_508 = arith.constant 0 : i32
      %dma_start3A_509 = tpu.memref_slice %arg2[%dma_start3A_507, %dma_start3A_508] : memref<10000x128xf32, #tpu.memory_space<hbm>> -> memref<10000x128xf32, #tpu.memory_space<hbm>>
      tpu.enqueue_indirect_dma source(%dma_start3A_509 : memref<10000x128xf32, #tpu.memory_space<hbm>>) target(%arg10 : memref<128x128xf32, #tpu.memory_space<vmem>>) offsets(%dma_start3A_506 : memref<128xi32, #tpu.memory_space<vmem>>) semaphore(%arg14 : memref<!tpu.dma_semaphore, #tpu.memory_space<semaphore_mem>>)
    }
    %scan3A_37 = arith.constant 9 : i32
    %dma_wait3A_38 = arith.constant 0 : i32
    %dma_wait3A_39 = arith.constant 0 : i32
    %dma_wait3A_40 = tpu.memref_slice %arg8[%dma_wait3A_38, %dma_wait3A_39] : memref<8x128xi32, #tpu.memory_space<vmem>> -> memref<1x128xi32, #tpu.memory_space<vmem>>
    %dma_wait3A_41 = tpu.memref_squeeze %dma_wait3A_40 : memref<1x128xi32, #tpu.memory_space<vmem>> -> memref<128xi32, #tpu.memory_space<vmem>>
    %dma_wait3A_42 = arith.constant 0 : i32
    %dma_wait3A_43 = arith.constant 0 : i32
    %dma_wait3A_44 = tpu.memref_slice %arg2[%dma_wait3A_42, %dma_wait3A_43] : memref<10000x128xf32, #tpu.memory_space<hbm>> -> memref<10000x128xf32, #tpu.memory_space<hbm>>
    tpu.wait_indirect_dma semaphore(%arg13 : memref<!tpu.dma_semaphore, #tpu.memory_space<semaphore_mem>>) src(%dma_wait3A_44 : memref<10000x128xf32, #tpu.memory_space<hbm>>) dst(%arg9 : memref<128x128xf32, #tpu.memory_space<vmem>>)
    %dma_start3A_45 = arith.constant 72 : i32
    %dma_start3A_46 = arith.constant 0 : i32
    %dma_start3A_47 = tpu.memref_slice %arg7[%dma_start3A_45, %dma_start3A_46] : memref<80x128xi32, #tpu.memory_space<vmem>> -> memref<1x128xi32, #tpu.memory_space<vmem>>
    %dma_start3A_48 = tpu.memref_squeeze %dma_start3A_47 : memref<1x128xi32, #tpu.memory_space<vmem>> -> memref<128xi32, #tpu.memory_space<vmem>>
    %dma_start3A_49 = arith.constant 0 : i32
    %dma_start3A_50 = arith.constant 0 : i32
    %dma_start3A_51 = tpu.memref_slice %arg11[%dma_start3A_49, %dma_start3A_50] : memref<10240x128xf32, #tpu.memory_space<vmem_shared>> -> memref<10240x128xf32, #tpu.memory_space<vmem_shared>>
    tpu.enqueue_indirect_dma source(%arg9 : memref<128x128xf32, #tpu.memory_space<vmem>>) target(%dma_start3A_51 : memref<10240x128xf32, #tpu.memory_space<vmem_shared>>) offsets(%dma_start3A_48 : memref<128xi32, #tpu.memory_space<vmem>>) semaphore(%arg15 : memref<!tpu.dma_semaphore, #tpu.memory_space<semaphore_mem>>) {add = true}
    %dma_wait3A_52 = arith.constant 0 : i32
    %dma_wait3A_53 = arith.constant 0 : i32
    %dma_wait3A_54 = tpu.memref_slice %arg7[%dma_wait3A_52, %dma_wait3A_53] : memref<80x128xi32, #tpu.memory_space<vmem>> -> memref<1x128xi32, #tpu.memory_space<vmem>>
    %dma_wait3A_55 = tpu.memref_squeeze %dma_wait3A_54 : memref<1x128xi32, #tpu.memory_space<vmem>> -> memref<128xi32, #tpu.memory_space<vmem>>
    %dma_wait3A_56 = arith.constant 0 : i32
    %dma_wait3A_57 = arith.constant 0 : i32
    %dma_wait3A_58 = tpu.memref_slice %arg11[%dma_wait3A_56, %dma_wait3A_57] : memref<10240x128xf32, #tpu.memory_space<vmem_shared>> -> memref<10240x128xf32, #tpu.memory_space<vmem_shared>>
    tpu.wait_indirect_dma semaphore(%arg15 : memref<!tpu.dma_semaphore, #tpu.memory_space<semaphore_mem>>) src(%arg9 : memref<128x128xf32, #tpu.memory_space<vmem>>) dst(%dma_wait3A_58 : memref<10240x128xf32, #tpu.memory_space<vmem_shared>>)
    %dma_start3A_59 = arith.constant 2 : i32
    %dma_start3A_60 = arith.constant 0 : i32
    %dma_start3A_61 = tpu.memref_slice %arg8[%dma_start3A_59, %dma_start3A_60] : memref<8x128xi32, #tpu.memory_space<vmem>> -> memref<1x128xi32, #tpu.memory_space<vmem>>
    %dma_start3A_62 = tpu.memref_squeeze %dma_start3A_61 : memref<1x128xi32, #tpu.memory_space<vmem>> -> memref<128xi32, #tpu.memory_space<vmem>>
    %dma_start3A_63 = arith.constant 0 : i32
    %dma_start3A_64 = arith.constant 0 : i32
    %dma_start3A_65 = tpu.memref_slice %arg2[%dma_start3A_63, %dma_start3A_64] : memref<10000x128xf32, #tpu.memory_space<hbm>> -> memref<10000x128xf32, #tpu.memory_space<hbm>>
    tpu.enqueue_indirect_dma source(%dma_start3A_65 : memref<10000x128xf32, #tpu.memory_space<hbm>>) target(%arg9 : memref<128x128xf32, #tpu.memory_space<vmem>>) offsets(%dma_start3A_62 : memref<128xi32, #tpu.memory_space<vmem>>) semaphore(%arg13 : memref<!tpu.dma_semaphore, #tpu.memory_space<semaphore_mem>>)
    %dma_wait3A_66 = arith.constant 0 : i32
    %dma_wait3A_67 = arith.constant 0 : i32
    %dma_wait3A_68 = tpu.memref_slice %arg8[%dma_wait3A_66, %dma_wait3A_67] : memref<8x128xi32, #tpu.memory_space<vmem>> -> memref<1x128xi32, #tpu.memory_space<vmem>>
    %dma_wait3A_69 = tpu.memref_squeeze %dma_wait3A_68 : memref<1x128xi32, #tpu.memory_space<vmem>> -> memref<128xi32, #tpu.memory_space<vmem>>
    %dma_wait3A_70 = arith.constant 0 : i32
    %dma_wait3A_71 = arith.constant 0 : i32
    %dma_wait3A_72 = tpu.memref_slice %arg2[%dma_wait3A_70, %dma_wait3A_71] : memref<10000x128xf32, #tpu.memory_space<hbm>> -> memref<10000x128xf32, #tpu.memory_space<hbm>>
    tpu.wait_indirect_dma semaphore(%arg14 : memref<!tpu.dma_semaphore, #tpu.memory_space<semaphore_mem>>) src(%dma_wait3A_72 : memref<10000x128xf32, #tpu.memory_space<hbm>>) dst(%arg10 : memref<128x128xf32, #tpu.memory_space<vmem>>)
    %dma_start3A_73 = arith.constant 73 : i32
    %dma_start3A_74 = arith.constant 0 : i32
    %dma_start3A_75 = tpu.memref_slice %arg7[%dma_start3A_73, %dma_start3A_74] : memref<80x128xi32, #tpu.memory_space<vmem>> -> memref<1x128xi32, #tpu.memory_space<vmem>>
    %dma_start3A_76 = tpu.memref_squeeze %dma_start3A_75 : memref<1x128xi32, #tpu.memory_space<vmem>> -> memref<128xi32, #tpu.memory_space<vmem>>
    %dma_start3A_77 = arith.constant 0 : i32
    %dma_start3A_78 = arith.constant 0 : i32
    %dma_start3A_79 = tpu.memref_slice %arg11[%dma_start3A_77, %dma_start3A_78] : memref<10240x128xf32, #tpu.memory_space<vmem_shared>> -> memref<10240x128xf32, #tpu.memory_space<vmem_shared>>
    tpu.enqueue_indirect_dma source(%arg10 : memref<128x128xf32, #tpu.memory_space<vmem>>) target(%dma_start3A_79 : memref<10240x128xf32, #tpu.memory_space<vmem_shared>>) offsets(%dma_start3A_76 : memref<128xi32, #tpu.memory_space<vmem>>) semaphore(%arg16 : memref<!tpu.dma_semaphore, #tpu.memory_space<semaphore_mem>>) {add = true}
    %dma_wait3A_80 = arith.constant 0 : i32
    %dma_wait3A_81 = arith.constant 0 : i32
    %dma_wait3A_82 = tpu.memref_slice %arg7[%dma_wait3A_80, %dma_wait3A_81] : memref<80x128xi32, #tpu.memory_space<vmem>> -> memref<1x128xi32, #tpu.memory_space<vmem>>
    %dma_wait3A_83 = tpu.memref_squeeze %dma_wait3A_82 : memref<1x128xi32, #tpu.memory_space<vmem>> -> memref<128xi32, #tpu.memory_space<vmem>>
    %dma_wait3A_84 = arith.constant 0 : i32
    %dma_wait3A_85 = arith.constant 0 : i32
    %dma_wait3A_86 = tpu.memref_slice %arg11[%dma_wait3A_84, %dma_wait3A_85] : memref<10240x128xf32, #tpu.memory_space<vmem_shared>> -> memref<10240x128xf32, #tpu.memory_space<vmem_shared>>
    tpu.wait_indirect_dma semaphore(%arg16 : memref<!tpu.dma_semaphore, #tpu.memory_space<semaphore_mem>>) src(%arg10 : memref<128x128xf32, #tpu.memory_space<vmem>>) dst(%dma_wait3A_86 : memref<10240x128xf32, #tpu.memory_space<vmem_shared>>)
    %dma_start3A_87 = arith.constant 3 : i32
    %dma_start3A_88 = arith.constant 0 : i32
    %dma_start3A_89 = tpu.memref_slice %arg8[%dma_start3A_87, %dma_start3A_88] : memref<8x128xi32, #tpu.memory_space<vmem>> -> memref<1x128xi32, #tpu.memory_space<vmem>>
    %dma_start3A_90 = tpu.memref_squeeze %dma_start3A_89 : memref<1x128xi32, #tpu.memory_space<vmem>> -> memref<128xi32, #tpu.memory_space<vmem>>
    %dma_start3A_91 = arith.constant 0 : i32
    %dma_start3A_92 = arith.constant 0 : i32
    %dma_start3A_93 = tpu.memref_slice %arg2[%dma_start3A_91, %dma_start3A_92] : memref<10000x128xf32, #tpu.memory_space<hbm>> -> memref<10000x128xf32, #tpu.memory_space<hbm>>
    tpu.enqueue_indirect_dma source(%dma_start3A_93 : memref<10000x128xf32, #tpu.memory_space<hbm>>) target(%arg10 : memref<128x128xf32, #tpu.memory_space<vmem>>) offsets(%dma_start3A_90 : memref<128xi32, #tpu.memory_space<vmem>>) semaphore(%arg14 : memref<!tpu.dma_semaphore, #tpu.memory_space<semaphore_mem>>)
    %dma_wait3A_94 = arith.constant 0 : i32
    %dma_wait3A_95 = arith.constant 0 : i32
    %dma_wait3A_96 = tpu.memref_slice %arg8[%dma_wait3A_94, %dma_wait3A_95] : memref<8x128xi32, #tpu.memory_space<vmem>> -> memref<1x128xi32, #tpu.memory_space<vmem>>
    %dma_wait3A_97 = tpu.memref_squeeze %dma_wait3A_96 : memref<1x128xi32, #tpu.memory_space<vmem>> -> memref<128xi32, #tpu.memory_space<vmem>>
    %dma_wait3A_98 = arith.constant 0 : i32
    %dma_wait3A_99 = arith.constant 0 : i32
    %dma_wait3A_100 = tpu.memref_slice %arg2[%dma_wait3A_98, %dma_wait3A_99] : memref<10000x128xf32, #tpu.memory_space<hbm>> -> memref<10000x128xf32, #tpu.memory_space<hbm>>
    tpu.wait_indirect_dma semaphore(%arg13 : memref<!tpu.dma_semaphore, #tpu.memory_space<semaphore_mem>>) src(%dma_wait3A_100 : memref<10000x128xf32, #tpu.memory_space<hbm>>) dst(%arg9 : memref<128x128xf32, #tpu.memory_space<vmem>>)
    %dma_start3A_101 = arith.constant 74 : i32
    %dma_start3A_102 = arith.constant 0 : i32
    %dma_start3A_103 = tpu.memref_slice %arg7[%dma_start3A_101, %dma_start3A_102] : memref<80x128xi32, #tpu.memory_space<vmem>> -> memref<1x128xi32, #tpu.memory_space<vmem>>
    %dma_start3A_104 = tpu.memref_squeeze %dma_start3A_103 : memref<1x128xi32, #tpu.memory_space<vmem>> -> memref<128xi32, #tpu.memory_space<vmem>>
    %dma_start3A_105 = arith.constant 0 : i32
    %dma_start3A_106 = arith.constant 0 : i32
    %dma_start3A_107 = tpu.memref_slice %arg11[%dma_start3A_105, %dma_start3A_106] : memref<10240x128xf32, #tpu.memory_space<vmem_shared>> -> memref<10240x128xf32, #tpu.memory_space<vmem_shared>>
    tpu.enqueue_indirect_dma source(%arg9 : memref<128x128xf32, #tpu.memory_space<vmem>>) target(%dma_start3A_107 : memref<10240x128xf32, #tpu.memory_space<vmem_shared>>) offsets(%dma_start3A_104 : memref<128xi32, #tpu.memory_space<vmem>>) semaphore(%arg15 : memref<!tpu.dma_semaphore, #tpu.memory_space<semaphore_mem>>) {add = true}
    %dma_wait3A_108 = arith.constant 0 : i32
    %dma_wait3A_109 = arith.constant 0 : i32
    %dma_wait3A_110 = tpu.memref_slice %arg7[%dma_wait3A_108, %dma_wait3A_109] : memref<80x128xi32, #tpu.memory_space<vmem>> -> memref<1x128xi32, #tpu.memory_space<vmem>>
    %dma_wait3A_111 = tpu.memref_squeeze %dma_wait3A_110 : memref<1x128xi32, #tpu.memory_space<vmem>> -> memref<128xi32, #tpu.memory_space<vmem>>
    %dma_wait3A_112 = arith.constant 0 : i32
    %dma_wait3A_113 = arith.constant 0 : i32
    %dma_wait3A_114 = tpu.memref_slice %arg11[%dma_wait3A_112, %dma_wait3A_113] : memref<10240x128xf32, #tpu.memory_space<vmem_shared>> -> memref<10240x128xf32, #tpu.memory_space<vmem_shared>>
    tpu.wait_indirect_dma semaphore(%arg15 : memref<!tpu.dma_semaphore, #tpu.memory_space<semaphore_mem>>) src(%arg9 : memref<128x128xf32, #tpu.memory_space<vmem>>) dst(%dma_wait3A_114 : memref<10240x128xf32, #tpu.memory_space<vmem_shared>>)
    %dma_start3A_115 = arith.constant 4 : i32
    %dma_start3A_116 = arith.constant 0 : i32
    %dma_start3A_117 = tpu.memref_slice %arg8[%dma_start3A_115, %dma_start3A_116] : memref<8x128xi32, #tpu.memory_space<vmem>> -> memref<1x128xi32, #tpu.memory_space<vmem>>
    %dma_start3A_118 = tpu.memref_squeeze %dma_start3A_117 : memref<1x128xi32, #tpu.memory_space<vmem>> -> memref<128xi32, #tpu.memory_space<vmem>>
    %dma_start3A_119 = arith.constant 0 : i32
    %dma_start3A_120 = arith.constant 0 : i32
    %dma_start3A_121 = tpu.memref_slice %arg2[%dma_start3A_119, %dma_start3A_120] : memref<10000x128xf32, #tpu.memory_space<hbm>> -> memref<10000x128xf32, #tpu.memory_space<hbm>>
    tpu.enqueue_indirect_dma source(%dma_start3A_121 : memref<10000x128xf32, #tpu.memory_space<hbm>>) target(%arg9 : memref<128x128xf32, #tpu.memory_space<vmem>>) offsets(%dma_start3A_118 : memref<128xi32, #tpu.memory_space<vmem>>) semaphore(%arg13 : memref<!tpu.dma_semaphore, #tpu.memory_space<semaphore_mem>>)
    %dma_wait3A_122 = arith.constant 0 : i32
    %dma_wait3A_123 = arith.constant 0 : i32
    %dma_wait3A_124 = tpu.memref_slice %arg8[%dma_wait3A_122, %dma_wait3A_123] : memref<8x128xi32, #tpu.memory_space<vmem>> -> memref<1x128xi32, #tpu.memory_space<vmem>>
    %dma_wait3A_125 = tpu.memref_squeeze %dma_wait3A_124 : memref<1x128xi32, #tpu.memory_space<vmem>> -> memref<128xi32, #tpu.memory_space<vmem>>
    %dma_wait3A_126 = arith.constant 0 : i32
    %dma_wait3A_127 = arith.constant 0 : i32
    %dma_wait3A_128 = tpu.memref_slice %arg2[%dma_wait3A_126, %dma_wait3A_127] : memref<10000x128xf32, #tpu.memory_space<hbm>> -> memref<10000x128xf32, #tpu.memory_space<hbm>>
    tpu.wait_indirect_dma semaphore(%arg14 : memref<!tpu.dma_semaphore, #tpu.memory_space<semaphore_mem>>) src(%dma_wait3A_128 : memref<10000x128xf32, #tpu.memory_space<hbm>>) dst(%arg10 : memref<128x128xf32, #tpu.memory_space<vmem>>)
    %dma_start3A_129 = arith.constant 75 : i32
    %dma_start3A_130 = arith.constant 0 : i32
    %dma_start3A_131 = tpu.memref_slice %arg7[%dma_start3A_129, %dma_start3A_130] : memref<80x128xi32, #tpu.memory_space<vmem>> -> memref<1x128xi32, #tpu.memory_space<vmem>>
    %dma_start3A_132 = tpu.memref_squeeze %dma_start3A_131 : memref<1x128xi32, #tpu.memory_space<vmem>> -> memref<128xi32, #tpu.memory_space<vmem>>
    %dma_start3A_133 = arith.constant 0 : i32
    %dma_start3A_134 = arith.constant 0 : i32
    %dma_start3A_135 = tpu.memref_slice %arg11[%dma_start3A_133, %dma_start3A_134] : memref<10240x128xf32, #tpu.memory_space<vmem_shared>> -> memref<10240x128xf32, #tpu.memory_space<vmem_shared>>
    tpu.enqueue_indirect_dma source(%arg10 : memref<128x128xf32, #tpu.memory_space<vmem>>) target(%dma_start3A_135 : memref<10240x128xf32, #tpu.memory_space<vmem_shared>>) offsets(%dma_start3A_132 : memref<128xi32, #tpu.memory_space<vmem>>) semaphore(%arg16 : memref<!tpu.dma_semaphore, #tpu.memory_space<semaphore_mem>>) {add = true}
    %dma_wait3A_136 = arith.constant 0 : i32
    %dma_wait3A_137 = arith.constant 0 : i32
    %dma_wait3A_138 = tpu.memref_slice %arg7[%dma_wait3A_136, %dma_wait3A_137] : memref<80x128xi32, #tpu.memory_space<vmem>> -> memref<1x128xi32, #tpu.memory_space<vmem>>
    %dma_wait3A_139 = tpu.memref_squeeze %dma_wait3A_138 : memref<1x128xi32, #tpu.memory_space<vmem>> -> memref<128xi32, #tpu.memory_space<vmem>>
    %dma_wait3A_140 = arith.constant 0 : i32
    %dma_wait3A_141 = arith.constant 0 : i32
    %dma_wait3A_142 = tpu.memref_slice %arg11[%dma_wait3A_140, %dma_wait3A_141] : memref<10240x128xf32, #tpu.memory_space<vmem_shared>> -> memref<10240x128xf32, #tpu.memory_space<vmem_shared>>
    tpu.wait_indirect_dma semaphore(%arg16 : memref<!tpu.dma_semaphore, #tpu.memory_space<semaphore_mem>>) src(%arg10 : memref<128x128xf32, #tpu.memory_space<vmem>>) dst(%dma_wait3A_142 : memref<10240x128xf32, #tpu.memory_space<vmem_shared>>)
    %dma_start3A_143 = arith.constant 5 : i32
    %dma_start3A_144 = arith.constant 0 : i32
    %dma_start3A_145 = tpu.memref_slice %arg8[%dma_start3A_143, %dma_start3A_144] : memref<8x128xi32, #tpu.memory_space<vmem>> -> memref<1x128xi32, #tpu.memory_space<vmem>>
    %dma_start3A_146 = tpu.memref_squeeze %dma_start3A_145 : memref<1x128xi32, #tpu.memory_space<vmem>> -> memref<128xi32, #tpu.memory_space<vmem>>
    %dma_start3A_147 = arith.constant 0 : i32
    %dma_start3A_148 = arith.constant 0 : i32
    %dma_start3A_149 = tpu.memref_slice %arg2[%dma_start3A_147, %dma_start3A_148] : memref<10000x128xf32, #tpu.memory_space<hbm>> -> memref<10000x128xf32, #tpu.memory_space<hbm>>
    tpu.enqueue_indirect_dma source(%dma_start3A_149 : memref<10000x128xf32, #tpu.memory_space<hbm>>) target(%arg10 : memref<128x128xf32, #tpu.memory_space<vmem>>) offsets(%dma_start3A_146 : memref<128xi32, #tpu.memory_space<vmem>>) semaphore(%arg14 : memref<!tpu.dma_semaphore, #tpu.memory_space<semaphore_mem>>)
    %dma_wait3A_150 = arith.constant 0 : i32
    %dma_wait3A_151 = arith.constant 0 : i32
    %dma_wait3A_152 = tpu.memref_slice %arg8[%dma_wait3A_150, %dma_wait3A_151] : memref<8x128xi32, #tpu.memory_space<vmem>> -> memref<1x128xi32, #tpu.memory_space<vmem>>
    %dma_wait3A_153 = tpu.memref_squeeze %dma_wait3A_152 : memref<1x128xi32, #tpu.memory_space<vmem>> -> memref<128xi32, #tpu.memory_space<vmem>>
    %dma_wait3A_154 = arith.constant 0 : i32
    %dma_wait3A_155 = arith.constant 0 : i32
    %dma_wait3A_156 = tpu.memref_slice %arg2[%dma_wait3A_154, %dma_wait3A_155] : memref<10000x128xf32, #tpu.memory_space<hbm>> -> memref<10000x128xf32, #tpu.memory_space<hbm>>
    tpu.wait_indirect_dma semaphore(%arg13 : memref<!tpu.dma_semaphore, #tpu.memory_space<semaphore_mem>>) src(%dma_wait3A_156 : memref<10000x128xf32, #tpu.memory_space<hbm>>) dst(%arg9 : memref<128x128xf32, #tpu.memory_space<vmem>>)
    %dma_start3A_157 = arith.constant 76 : i32
    %dma_start3A_158 = arith.constant 0 : i32
    %dma_start3A_159 = tpu.memref_slice %arg7[%dma_start3A_157, %dma_start3A_158] : memref<80x128xi32, #tpu.memory_space<vmem>> -> memref<1x128xi32, #tpu.memory_space<vmem>>
    %dma_start3A_160 = tpu.memref_squeeze %dma_start3A_159 : memref<1x128xi32, #tpu.memory_space<vmem>> -> memref<128xi32, #tpu.memory_space<vmem>>
    %dma_start3A_161 = arith.constant 0 : i32
    %dma_start3A_162 = arith.constant 0 : i32
    %dma_start3A_163 = tpu.memref_slice %arg11[%dma_start3A_161, %dma_start3A_162] : memref<10240x128xf32, #tpu.memory_space<vmem_shared>> -> memref<10240x128xf32, #tpu.memory_space<vmem_shared>>
    tpu.enqueue_indirect_dma source(%arg9 : memref<128x128xf32, #tpu.memory_space<vmem>>) target(%dma_start3A_163 : memref<10240x128xf32, #tpu.memory_space<vmem_shared>>) offsets(%dma_start3A_160 : memref<128xi32, #tpu.memory_space<vmem>>) semaphore(%arg15 : memref<!tpu.dma_semaphore, #tpu.memory_space<semaphore_mem>>) {add = true}
    %dma_wait3A_164 = arith.constant 0 : i32
    %dma_wait3A_165 = arith.constant 0 : i32
    %dma_wait3A_166 = tpu.memref_slice %arg7[%dma_wait3A_164, %dma_wait3A_165] : memref<80x128xi32, #tpu.memory_space<vmem>> -> memref<1x128xi32, #tpu.memory_space<vmem>>
    %dma_wait3A_167 = tpu.memref_squeeze %dma_wait3A_166 : memref<1x128xi32, #tpu.memory_space<vmem>> -> memref<128xi32, #tpu.memory_space<vmem>>
    %dma_wait3A_168 = arith.constant 0 : i32
    %dma_wait3A_169 = arith.constant 0 : i32
    %dma_wait3A_170 = tpu.memref_slice %arg11[%dma_wait3A_168, %dma_wait3A_169] : memref<10240x128xf32, #tpu.memory_space<vmem_shared>> -> memref<10240x128xf32, #tpu.memory_space<vmem_shared>>
    tpu.wait_indirect_dma semaphore(%arg15 : memref<!tpu.dma_semaphore, #tpu.memory_space<semaphore_mem>>) src(%arg9 : memref<128x128xf32, #tpu.memory_space<vmem>>) dst(%dma_wait3A_170 : memref<10240x128xf32, #tpu.memory_space<vmem_shared>>)
    %dma_start3A_171 = arith.constant 6 : i32
    %dma_start3A_172 = arith.constant 0 : i32
    %dma_start3A_173 = tpu.memref_slice %arg8[%dma_start3A_171, %dma_start3A_172] : memref<8x128xi32, #tpu.memory_space<vmem>> -> memref<1x128xi32, #tpu.memory_space<vmem>>
    %dma_start3A_174 = tpu.memref_squeeze %dma_start3A_173 : memref<1x128xi32, #tpu.memory_space<vmem>> -> memref<128xi32, #tpu.memory_space<vmem>>
    %dma_start3A_175 = arith.constant 0 : i32
    %dma_start3A_176 = arith.constant 0 : i32
    %dma_start3A_177 = tpu.memref_slice %arg2[%dma_start3A_175, %dma_start3A_176] : memref<10000x128xf32, #tpu.memory_space<hbm>> -> memref<10000x128xf32, #tpu.memory_space<hbm>>
    tpu.enqueue_indirect_dma source(%dma_start3A_177 : memref<10000x128xf32, #tpu.memory_space<hbm>>) target(%arg9 : memref<128x128xf32, #tpu.memory_space<vmem>>) offsets(%dma_start3A_174 : memref<128xi32, #tpu.memory_space<vmem>>) semaphore(%arg13 : memref<!tpu.dma_semaphore, #tpu.memory_space<semaphore_mem>>)
    %dma_wait3A_178 = arith.constant 0 : i32
    %dma_wait3A_179 = arith.constant 0 : i32
    %dma_wait3A_180 = tpu.memref_slice %arg8[%dma_wait3A_178, %dma_wait3A_179] : memref<8x128xi32, #tpu.memory_space<vmem>> -> memref<1x128xi32, #tpu.memory_space<vmem>>
    %dma_wait3A_181 = tpu.memref_squeeze %dma_wait3A_180 : memref<1x128xi32, #tpu.memory_space<vmem>> -> memref<128xi32, #tpu.memory_space<vmem>>
    %dma_wait3A_182 = arith.constant 0 : i32
    %dma_wait3A_183 = arith.constant 0 : i32
    %dma_wait3A_184 = tpu.memref_slice %arg2[%dma_wait3A_182, %dma_wait3A_183] : memref<10000x128xf32, #tpu.memory_space<hbm>> -> memref<10000x128xf32, #tpu.memory_space<hbm>>
    tpu.wait_indirect_dma semaphore(%arg14 : memref<!tpu.dma_semaphore, #tpu.memory_space<semaphore_mem>>) src(%dma_wait3A_184 : memref<10000x128xf32, #tpu.memory_space<hbm>>) dst(%arg10 : memref<128x128xf32, #tpu.memory_space<vmem>>)
    %dma_start3A_185 = arith.constant 77 : i32
    %dma_start3A_186 = arith.constant 0 : i32
    %dma_start3A_187 = tpu.memref_slice %arg7[%dma_start3A_185, %dma_start3A_186] : memref<80x128xi32, #tpu.memory_space<vmem>> -> memref<1x128xi32, #tpu.memory_space<vmem>>
    %dma_start3A_188 = tpu.memref_squeeze %dma_start3A_187 : memref<1x128xi32, #tpu.memory_space<vmem>> -> memref<128xi32, #tpu.memory_space<vmem>>
    %dma_start3A_189 = arith.constant 0 : i32
    %dma_start3A_190 = arith.constant 0 : i32
    %dma_start3A_191 = tpu.memref_slice %arg11[%dma_start3A_189, %dma_start3A_190] : memref<10240x128xf32, #tpu.memory_space<vmem_shared>> -> memref<10240x128xf32, #tpu.memory_space<vmem_shared>>
    tpu.enqueue_indirect_dma source(%arg10 : memref<128x128xf32, #tpu.memory_space<vmem>>) target(%dma_start3A_191 : memref<10240x128xf32, #tpu.memory_space<vmem_shared>>) offsets(%dma_start3A_188 : memref<128xi32, #tpu.memory_space<vmem>>) semaphore(%arg16 : memref<!tpu.dma_semaphore, #tpu.memory_space<semaphore_mem>>) {add = true}
    %dma_wait3A_192 = arith.constant 0 : i32
    %dma_wait3A_193 = arith.constant 0 : i32
    %dma_wait3A_194 = tpu.memref_slice %arg7[%dma_wait3A_192, %dma_wait3A_193] : memref<80x128xi32, #tpu.memory_space<vmem>> -> memref<1x128xi32, #tpu.memory_space<vmem>>
    %dma_wait3A_195 = tpu.memref_squeeze %dma_wait3A_194 : memref<1x128xi32, #tpu.memory_space<vmem>> -> memref<128xi32, #tpu.memory_space<vmem>>
    %dma_wait3A_196 = arith.constant 0 : i32
    %dma_wait3A_197 = arith.constant 0 : i32
    %dma_wait3A_198 = tpu.memref_slice %arg11[%dma_wait3A_196, %dma_wait3A_197] : memref<10240x128xf32, #tpu.memory_space<vmem_shared>> -> memref<10240x128xf32, #tpu.memory_space<vmem_shared>>
    tpu.wait_indirect_dma semaphore(%arg16 : memref<!tpu.dma_semaphore, #tpu.memory_space<semaphore_mem>>) src(%arg10 : memref<128x128xf32, #tpu.memory_space<vmem>>) dst(%dma_wait3A_198 : memref<10240x128xf32, #tpu.memory_space<vmem_shared>>)
    %dma_start3A_199 = arith.constant 7 : i32
    %dma_start3A_200 = arith.constant 0 : i32
    %dma_start3A_201 = tpu.memref_slice %arg8[%dma_start3A_199, %dma_start3A_200] : memref<8x128xi32, #tpu.memory_space<vmem>> -> memref<1x128xi32, #tpu.memory_space<vmem>>
    %dma_start3A_202 = tpu.memref_squeeze %dma_start3A_201 : memref<1x128xi32, #tpu.memory_space<vmem>> -> memref<128xi32, #tpu.memory_space<vmem>>
    %dma_start3A_203 = arith.constant 0 : i32
    %dma_start3A_204 = arith.constant 0 : i32
    %dma_start3A_205 = tpu.memref_slice %arg2[%dma_start3A_203, %dma_start3A_204] : memref<10000x128xf32, #tpu.memory_space<hbm>> -> memref<10000x128xf32, #tpu.memory_space<hbm>>
    tpu.enqueue_indirect_dma source(%dma_start3A_205 : memref<10000x128xf32, #tpu.memory_space<hbm>>) target(%arg10 : memref<128x128xf32, #tpu.memory_space<vmem>>) offsets(%dma_start3A_202 : memref<128xi32, #tpu.memory_space<vmem>>) semaphore(%arg14 : memref<!tpu.dma_semaphore, #tpu.memory_space<semaphore_mem>>)
    %dma_wait3A_206 = arith.constant 0 : i32
    %dma_wait3A_207 = arith.constant 0 : i32
    %dma_wait3A_208 = tpu.memref_slice %arg8[%dma_wait3A_206, %dma_wait3A_207] : memref<8x128xi32, #tpu.memory_space<vmem>> -> memref<1x128xi32, #tpu.memory_space<vmem>>
    %dma_wait3A_209 = tpu.memref_squeeze %dma_wait3A_208 : memref<1x128xi32, #tpu.memory_space<vmem>> -> memref<128xi32, #tpu.memory_space<vmem>>
    %dma_wait3A_210 = arith.constant 0 : i32
    %dma_wait3A_211 = arith.constant 0 : i32
    %dma_wait3A_212 = tpu.memref_slice %arg2[%dma_wait3A_210, %dma_wait3A_211] : memref<10000x128xf32, #tpu.memory_space<hbm>> -> memref<10000x128xf32, #tpu.memory_space<hbm>>
    tpu.wait_indirect_dma semaphore(%arg13 : memref<!tpu.dma_semaphore, #tpu.memory_space<semaphore_mem>>) src(%dma_wait3A_212 : memref<10000x128xf32, #tpu.memory_space<hbm>>) dst(%arg9 : memref<128x128xf32, #tpu.memory_space<vmem>>)
    %dma_start3A_213 = arith.constant 78 : i32
    %dma_start3A_214 = arith.constant 0 : i32
    %dma_start3A_215 = tpu.memref_slice %arg7[%dma_start3A_213, %dma_start3A_214] : memref<80x128xi32, #tpu.memory_space<vmem>> -> memref<1x128xi32, #tpu.memory_space<vmem>>
    %dma_start3A_216 = tpu.memref_squeeze %dma_start3A_215 : memref<1x128xi32, #tpu.memory_space<vmem>> -> memref<128xi32, #tpu.memory_space<vmem>>
    %dma_start3A_217 = arith.constant 0 : i32
    %dma_start3A_218 = arith.constant 0 : i32
    %dma_start3A_219 = tpu.memref_slice %arg11[%dma_start3A_217, %dma_start3A_218] : memref<10240x128xf32, #tpu.memory_space<vmem_shared>> -> memref<10240x128xf32, #tpu.memory_space<vmem_shared>>
    tpu.enqueue_indirect_dma source(%arg9 : memref<128x128xf32, #tpu.memory_space<vmem>>) target(%dma_start3A_219 : memref<10240x128xf32, #tpu.memory_space<vmem_shared>>) offsets(%dma_start3A_216 : memref<128xi32, #tpu.memory_space<vmem>>) semaphore(%arg15 : memref<!tpu.dma_semaphore, #tpu.memory_space<semaphore_mem>>) {add = true}
    %dma_wait3A_220 = arith.constant 0 : i32
    %dma_wait3A_221 = arith.constant 0 : i32
    %dma_wait3A_222 = tpu.memref_slice %arg8[%dma_wait3A_220, %dma_wait3A_221] : memref<8x128xi32, #tpu.memory_space<vmem>> -> memref<1x128xi32, #tpu.memory_space<vmem>>
    %dma_wait3A_223 = tpu.memref_squeeze %dma_wait3A_222 : memref<1x128xi32, #tpu.memory_space<vmem>> -> memref<128xi32, #tpu.memory_space<vmem>>
    %dma_wait3A_224 = arith.constant 0 : i32
    %dma_wait3A_225 = arith.constant 0 : i32
    %dma_wait3A_226 = tpu.memref_slice %arg2[%dma_wait3A_224, %dma_wait3A_225] : memref<10000x128xf32, #tpu.memory_space<hbm>> -> memref<10000x128xf32, #tpu.memory_space<hbm>>
    tpu.wait_indirect_dma semaphore(%arg14 : memref<!tpu.dma_semaphore, #tpu.memory_space<semaphore_mem>>) src(%dma_wait3A_226 : memref<10000x128xf32, #tpu.memory_space<hbm>>) dst(%arg10 : memref<128x128xf32, #tpu.memory_space<vmem>>)
    %dma_start3A_227 = arith.constant 79 : i32
    %dma_start3A_228 = arith.constant 0 : i32
    %dma_start3A_229 = tpu.memref_slice %arg7[%dma_start3A_227, %dma_start3A_228] : memref<80x128xi32, #tpu.memory_space<vmem>> -> memref<1x128xi32, #tpu.memory_space<vmem>>
    %dma_start3A_230 = tpu.memref_squeeze %dma_start3A_229 : memref<1x128xi32, #tpu.memory_space<vmem>> -> memref<128xi32, #tpu.memory_space<vmem>>
    %dma_start3A_231 = arith.constant 0 : i32
    %dma_start3A_232 = arith.constant 0 : i32
    %dma_start3A_233 = tpu.memref_slice %arg11[%dma_start3A_231, %dma_start3A_232] : memref<10240x128xf32, #tpu.memory_space<vmem_shared>> -> memref<10240x128xf32, #tpu.memory_space<vmem_shared>>
    tpu.enqueue_indirect_dma source(%arg10 : memref<128x128xf32, #tpu.memory_space<vmem>>) target(%dma_start3A_233 : memref<10240x128xf32, #tpu.memory_space<vmem_shared>>) offsets(%dma_start3A_230 : memref<128xi32, #tpu.memory_space<vmem>>) semaphore(%arg16 : memref<!tpu.dma_semaphore, #tpu.memory_space<semaphore_mem>>) {add = true}
    %dma_wait3A_234 = arith.constant 0 : i32
    %dma_wait3A_235 = arith.constant 0 : i32
    %dma_wait3A_236 = tpu.memref_slice %arg7[%dma_wait3A_234, %dma_wait3A_235] : memref<80x128xi32, #tpu.memory_space<vmem>> -> memref<1x128xi32, #tpu.memory_space<vmem>>
    %dma_wait3A_237 = tpu.memref_squeeze %dma_wait3A_236 : memref<1x128xi32, #tpu.memory_space<vmem>> -> memref<128xi32, #tpu.memory_space<vmem>>
    %dma_wait3A_238 = arith.constant 0 : i32
    %dma_wait3A_239 = arith.constant 0 : i32
    %dma_wait3A_240 = tpu.memref_slice %arg11[%dma_wait3A_238, %dma_wait3A_239] : memref<10240x128xf32, #tpu.memory_space<vmem_shared>> -> memref<10240x128xf32, #tpu.memory_space<vmem_shared>>
    tpu.wait_indirect_dma semaphore(%arg15 : memref<!tpu.dma_semaphore, #tpu.memory_space<semaphore_mem>>) src(%arg9 : memref<128x128xf32, #tpu.memory_space<vmem>>) dst(%dma_wait3A_240 : memref<10240x128xf32, #tpu.memory_space<vmem_shared>>)
    %dma_wait3A_241 = arith.constant 0 : i32
    %dma_wait3A_242 = arith.constant 0 : i32
    %dma_wait3A_243 = tpu.memref_slice %arg7[%dma_wait3A_241, %dma_wait3A_242] : memref<80x128xi32, #tpu.memory_space<vmem>> -> memref<1x128xi32, #tpu.memory_space<vmem>>
    %dma_wait3A_244 = tpu.memref_squeeze %dma_wait3A_243 : memref<1x128xi32, #tpu.memory_space<vmem>> -> memref<128xi32, #tpu.memory_space<vmem>>
    %dma_wait3A_245 = arith.constant 0 : i32
    %dma_wait3A_246 = arith.constant 0 : i32
    %dma_wait3A_247 = tpu.memref_slice %arg11[%dma_wait3A_245, %dma_wait3A_246] : memref<10240x128xf32, #tpu.memory_space<vmem_shared>> -> memref<10240x128xf32, #tpu.memory_space<vmem_shared>>
    tpu.wait_indirect_dma semaphore(%arg16 : memref<!tpu.dma_semaphore, #tpu.memory_space<semaphore_mem>>) src(%arg10 : memref<128x128xf32, #tpu.memory_space<vmem>>) dst(%dma_wait3A_247 : memref<10240x128xf32, #tpu.memory_space<vmem_shared>>)
    %barrier3A_248 = arith.constant 0 : index
    tpu.barrier barrier_id(%barrier3A_248)
    %mul3A_249 = arith.constant 640 : i32
    %mul3A_250 = arith.muli %arg1, %mul3A_249 : i32
    %mul3A_251 = arith.constant 10240 : i32
    %mul3A_252 = arith.muli %arg0, %mul3A_251 : i32
    %mul3A_253 = arith.constant 640 : i32
    %mul3A_254 = arith.muli %arg1, %mul3A_253 : i32
    %add3A_255 = arith.addi %mul3A_252, %mul3A_254 : i32
    "tpu.region"() ({
      %run_scoped3A = tpu.sem_alloc : memref<!tpu.dma_semaphore, #tpu.memory_space<semaphore_mem>>
      %dma_start3A_256 = arith.constant 0 : i32
      %dma_start3A_257 = tpu.memref_slice %arg6[%add3A_255, %dma_start3A_256] : memref<20480x128xf32, #tpu.memory_space<hbm>> -> memref<640x128xf32, #tpu.memory_space<hbm>>
      %dma_start3A_258 = arith.constant 0 : i32
      %dma_start3A_259 = tpu.memref_slice %arg11[%mul3A_250, %dma_start3A_258] : memref<10240x128xf32, #tpu.memory_space<vmem_shared>> -> memref<640x128xf32, #tpu.memory_space<vmem_shared>>
      tpu.enqueue_dma source(%dma_start3A_259 : memref<640x128xf32, #tpu.memory_space<vmem_shared>>) target(%dma_start3A_257 : memref<640x128xf32, #tpu.memory_space<hbm>>) target_semaphore(%run_scoped3A : memref<!tpu.dma_semaphore, #tpu.memory_space<semaphore_mem>>)
      %dma_wait3A_260 = arith.constant 0 : i32
      %dma_wait3A_261 = tpu.memref_slice %arg6[%add3A_255, %dma_wait3A_260] : memref<20480x128xf32, #tpu.memory_space<hbm>> -> memref<640x128xf32, #tpu.memory_space<hbm>>
      %dma_wait3A_262 = arith.constant 0 : i32
      %dma_wait3A_263 = tpu.memref_slice %arg11[%mul3A_250, %dma_wait3A_262] : memref<10240x128xf32, #tpu.memory_space<vmem_shared>> -> memref<640x128xf32, #tpu.memory_space<vmem_shared>>
      tpu.wait_dma2 semaphore(%run_scoped3A : memref<!tpu.dma_semaphore, #tpu.memory_space<semaphore_mem>>) src(%dma_wait3A_263 : memref<640x128xf32, #tpu.memory_space<vmem_shared>>) dst(%dma_wait3A_261 : memref<640x128xf32, #tpu.memory_space<hbm>>)
      tpu.yield
    }) : () -> ()
    return
  }
}

#map = affine_map<(d0, d1) -> (0, 0, 0)>
#map1 = affine_map<(d0, d1) -> (0, 0)>
module attributes {stable_mosaic.version = 14 : i64} {
  func.func @_deg_kernel(%arg0: i32, %arg1: i32, %arg2: memref<32x80x128xi32, #tpu.memory_space<hbm>>, %arg3: memref<128x128xf32, #tpu.memory_space<hbm>>, %arg4: memref<640x128xf32, #tpu.memory_space<hbm>>, %arg5: memref<20480x128xf32, #tpu.memory_space<hbm>>, %arg6: memref<80x128xi32, #tpu.memory_space<vmem>>, %arg7: memref<128x128xf32, #tpu.memory_space<vmem>>, %arg8: memref<10240x128xf32, #tpu.memory_space<vmem_shared>>, %arg9: memref<!tpu.dma_semaphore, #tpu.memory_space<semaphore_mem>>) attributes {dimension_semantics = [#tpu.dimension_semantics<core_parallel>, #tpu.dimension_semantics<subcore_parallel>], iteration_bounds = array<i64: 2, 16>, scalar_prefetch = 0 : i64, scratch_operands = 4 : i64, tpu.core_type = #tpu.core_type<sc_vector_subcore>, window_params = [{transform_indices = #map}, {transform_indices = #map1}, {transform_indices = #map1}, {transform_indices = #map1}]} {
    %mul3A = arith.constant 2 : i32
    %mul3A_0 = arith.muli %arg1, %mul3A : i32
    %add3A = arith.addi %mul3A_0, %arg0 : i32
    %mul3A_1 = arith.constant 640 : i32
    %mul3A_2 = arith.muli %arg1, %mul3A_1 : i32
    "tpu.region"() ({
      %run_scoped3A = tpu.sem_alloc : memref<!tpu.dma_semaphore, #tpu.memory_space<semaphore_mem>>
      %dma_start3A = arith.constant 0 : i32
      %dma_start3A_22 = tpu.memref_slice %arg8[%mul3A_2, %dma_start3A] : memref<10240x128xf32, #tpu.memory_space<vmem_shared>> -> memref<640x128xf32, #tpu.memory_space<vmem_shared>>
      tpu.enqueue_dma source(%arg4 : memref<640x128xf32, #tpu.memory_space<hbm>>) target(%dma_start3A_22 : memref<640x128xf32, #tpu.memory_space<vmem_shared>>) target_semaphore(%run_scoped3A : memref<!tpu.dma_semaphore, #tpu.memory_space<semaphore_mem>>)
      %dma_wait3A = arith.constant 0 : i32
      %dma_wait3A_23 = tpu.memref_slice %arg8[%mul3A_2, %dma_wait3A] : memref<10240x128xf32, #tpu.memory_space<vmem_shared>> -> memref<640x128xf32, #tpu.memory_space<vmem_shared>>
      tpu.wait_dma2 semaphore(%run_scoped3A : memref<!tpu.dma_semaphore, #tpu.memory_space<semaphore_mem>>) src(%arg4 : memref<640x128xf32, #tpu.memory_space<hbm>>) dst(%dma_wait3A_23 : memref<640x128xf32, #tpu.memory_space<vmem_shared>>)
      tpu.yield
    }) : () -> ()
    "tpu.region"() ({
      %run_scoped3A = tpu.sem_alloc : memref<!tpu.dma_semaphore, #tpu.memory_space<semaphore_mem>>
      %dma_start3A = arith.constant 0 : i32
      %dma_start3A_22 = arith.constant 0 : i32
      %dma_start3A_23 = tpu.memref_slice %arg2[%add3A, %dma_start3A, %dma_start3A_22] : memref<32x80x128xi32, #tpu.memory_space<hbm>> -> memref<1x80x128xi32, #tpu.memory_space<hbm>>
      %dma_start3A_24 = tpu.memref_squeeze %dma_start3A_23 : memref<1x80x128xi32, #tpu.memory_space<hbm>> -> memref<80x128xi32, #tpu.memory_space<hbm>>
      %dma_start3A_25 = arith.constant 0 : i32
      %dma_start3A_26 = arith.constant 0 : i32
      %dma_start3A_27 = tpu.memref_slice %arg2[%add3A, %dma_start3A_25, %dma_start3A_26] : memref<32x80x128xi32, #tpu.memory_space<hbm>> -> memref<1x80x128xi32, #tpu.memory_space<hbm>>
      %dma_start3A_28 = tpu.memref_squeeze %dma_start3A_27 : memref<1x80x128xi32, #tpu.memory_space<hbm>> -> memref<80x128xi32, #tpu.memory_space<hbm>>
      tpu.enqueue_dma source(%dma_start3A_28 : memref<80x128xi32, #tpu.memory_space<hbm>>) target(%arg6 : memref<80x128xi32, #tpu.memory_space<vmem>>) target_semaphore(%run_scoped3A : memref<!tpu.dma_semaphore, #tpu.memory_space<semaphore_mem>>)
      %dma_wait3A = arith.constant 0 : i32
      %dma_wait3A_29 = arith.constant 0 : i32
      %dma_wait3A_30 = tpu.memref_slice %arg2[%add3A, %dma_wait3A, %dma_wait3A_29] : memref<32x80x128xi32, #tpu.memory_space<hbm>> -> memref<1x80x128xi32, #tpu.memory_space<hbm>>
      %dma_wait3A_31 = tpu.memref_squeeze %dma_wait3A_30 : memref<1x80x128xi32, #tpu.memory_space<hbm>> -> memref<80x128xi32, #tpu.memory_space<hbm>>
      %dma_wait3A_32 = arith.constant 0 : i32
      %dma_wait3A_33 = arith.constant 0 : i32
      %dma_wait3A_34 = tpu.memref_slice %arg2[%add3A, %dma_wait3A_32, %dma_wait3A_33] : memref<32x80x128xi32, #tpu.memory_space<hbm>> -> memref<1x80x128xi32, #tpu.memory_space<hbm>>
      %dma_wait3A_35 = tpu.memref_squeeze %dma_wait3A_34 : memref<1x80x128xi32, #tpu.memory_space<hbm>> -> memref<80x128xi32, #tpu.memory_space<hbm>>
      tpu.wait_dma2 semaphore(%run_scoped3A : memref<!tpu.dma_semaphore, #tpu.memory_space<semaphore_mem>>) src(%dma_wait3A_35 : memref<80x128xi32, #tpu.memory_space<hbm>>) dst(%arg6 : memref<80x128xi32, #tpu.memory_space<vmem>>)
      tpu.yield
    }) : () -> ()
    "tpu.region"() ({
      %run_scoped3A = tpu.sem_alloc : memref<!tpu.dma_semaphore, #tpu.memory_space<semaphore_mem>>
      tpu.enqueue_dma source(%arg3 : memref<128x128xf32, #tpu.memory_space<hbm>>) target(%arg7 : memref<128x128xf32, #tpu.memory_space<vmem>>) target_semaphore(%run_scoped3A : memref<!tpu.dma_semaphore, #tpu.memory_space<semaphore_mem>>)
      tpu.wait_dma2 semaphore(%run_scoped3A : memref<!tpu.dma_semaphore, #tpu.memory_space<semaphore_mem>>) src(%arg3 : memref<128x128xf32, #tpu.memory_space<hbm>>) dst(%arg7 : memref<128x128xf32, #tpu.memory_space<vmem>>)
      tpu.yield
    }) : () -> ()
    %barrier3A = arith.constant 0 : index
    tpu.barrier barrier_id(%barrier3A)
    %scan3A = arith.constant 0 : i32
    %scan3A_3 = arith.constant 0 : i32
    %scan3A_4 = arith.constant 80 : i32
    %scan3A_5 = arith.addi %scan3A_3, %scan3A_4 : i32
    %scan3A_6 = arith.constant 1 : i32
    scf.for %scan3A_22 = %scan3A_3 to %scan3A_5 step %scan3A_6  : i32 {
      %dma_start3A = arith.constant 0 : i32
      %dma_start3A_23 = tpu.memref_slice %arg6[%scan3A_22, %dma_start3A] : memref<80x128xi32, #tpu.memory_space<vmem>> -> memref<1x128xi32, #tpu.memory_space<vmem>>
      %dma_start3A_24 = tpu.memref_squeeze %dma_start3A_23 : memref<1x128xi32, #tpu.memory_space<vmem>> -> memref<128xi32, #tpu.memory_space<vmem>>
      %dma_start3A_25 = arith.constant 0 : i32
      %dma_start3A_26 = arith.constant 0 : i32
      %dma_start3A_27 = tpu.memref_slice %arg8[%dma_start3A_25, %dma_start3A_26] : memref<10240x128xf32, #tpu.memory_space<vmem_shared>> -> memref<10240x128xf32, #tpu.memory_space<vmem_shared>>
      tpu.enqueue_indirect_dma source(%arg7 : memref<128x128xf32, #tpu.memory_space<vmem>>) target(%dma_start3A_27 : memref<10240x128xf32, #tpu.memory_space<vmem_shared>>) offsets(%dma_start3A_24 : memref<128xi32, #tpu.memory_space<vmem>>) semaphore(%arg9 : memref<!tpu.dma_semaphore, #tpu.memory_space<semaphore_mem>>) {add = true}
    }
    %scan3A_7 = arith.constant 80 : i32
    %scan3A_8 = arith.constant 0 : i32
    %scan3A_9 = arith.constant 0 : i32
    %scan3A_10 = arith.constant 80 : i32
    %scan3A_11 = arith.addi %scan3A_9, %scan3A_10 : i32
    %scan3A_12 = arith.constant 1 : i32
    scf.for %scan3A_22 = %scan3A_9 to %scan3A_11 step %scan3A_12  : i32 {
      %dma_wait3A = arith.constant 0 : i32
      %dma_wait3A_23 = arith.constant 0 : i32
      %dma_wait3A_24 = tpu.memref_slice %arg6[%dma_wait3A, %dma_wait3A_23] : memref<80x128xi32, #tpu.memory_space<vmem>> -> memref<1x128xi32, #tpu.memory_space<vmem>>
      %dma_wait3A_25 = tpu.memref_squeeze %dma_wait3A_24 : memref<1x128xi32, #tpu.memory_space<vmem>> -> memref<128xi32, #tpu.memory_space<vmem>>
      %dma_wait3A_26 = arith.constant 0 : i32
      %dma_wait3A_27 = arith.constant 0 : i32
      %dma_wait3A_28 = tpu.memref_slice %arg8[%dma_wait3A_26, %dma_wait3A_27] : memref<10240x128xf32, #tpu.memory_space<vmem_shared>> -> memref<10240x128xf32, #tpu.memory_space<vmem_shared>>
      tpu.wait_indirect_dma semaphore(%arg9 : memref<!tpu.dma_semaphore, #tpu.memory_space<semaphore_mem>>) src(%arg7 : memref<128x128xf32, #tpu.memory_space<vmem>>) dst(%dma_wait3A_28 : memref<10240x128xf32, #tpu.memory_space<vmem_shared>>)
    }
    %scan3A_13 = arith.constant 80 : i32
    %barrier3A_14 = arith.constant 0 : index
    tpu.barrier barrier_id(%barrier3A_14)
    %mul3A_15 = arith.constant 640 : i32
    %mul3A_16 = arith.muli %arg1, %mul3A_15 : i32
    %mul3A_17 = arith.constant 10240 : i32
    %mul3A_18 = arith.muli %arg0, %mul3A_17 : i32
    %mul3A_19 = arith.constant 640 : i32
    %mul3A_20 = arith.muli %arg1, %mul3A_19 : i32
    %add3A_21 = arith.addi %mul3A_18, %mul3A_20 : i32
    "tpu.region"() ({
      %run_scoped3A = tpu.sem_alloc : memref<!tpu.dma_semaphore, #tpu.memory_space<semaphore_mem>>
      %dma_start3A = arith.constant 0 : i32
      %dma_start3A_22 = tpu.memref_slice %arg5[%add3A_21, %dma_start3A] : memref<20480x128xf32, #tpu.memory_space<hbm>> -> memref<640x128xf32, #tpu.memory_space<hbm>>
      %dma_start3A_23 = arith.constant 0 : i32
      %dma_start3A_24 = tpu.memref_slice %arg8[%mul3A_16, %dma_start3A_23] : memref<10240x128xf32, #tpu.memory_space<vmem_shared>> -> memref<640x128xf32, #tpu.memory_space<vmem_shared>>
      tpu.enqueue_dma source(%dma_start3A_24 : memref<640x128xf32, #tpu.memory_space<vmem_shared>>) target(%dma_start3A_22 : memref<640x128xf32, #tpu.memory_space<hbm>>) target_semaphore(%run_scoped3A : memref<!tpu.dma_semaphore, #tpu.memory_space<semaphore_mem>>)
      %dma_wait3A = arith.constant 0 : i32
      %dma_wait3A_25 = tpu.memref_slice %arg5[%add3A_21, %dma_wait3A] : memref<20480x128xf32, #tpu.memory_space<hbm>> -> memref<640x128xf32, #tpu.memory_space<hbm>>
      %dma_wait3A_26 = arith.constant 0 : i32
      %dma_wait3A_27 = tpu.memref_slice %arg8[%mul3A_16, %dma_wait3A_26] : memref<10240x128xf32, #tpu.memory_space<vmem_shared>> -> memref<640x128xf32, #tpu.memory_space<vmem_shared>>
      tpu.wait_dma2 semaphore(%run_scoped3A : memref<!tpu.dma_semaphore, #tpu.memory_space<semaphore_mem>>) src(%dma_wait3A_27 : memref<640x128xf32, #tpu.memory_space<vmem_shared>>) dst(%dma_wait3A_25 : memref<640x128xf32, #tpu.memory_space<hbm>>)
      tpu.yield
    }) : () -> ()
    return
  }
}

module attributes {stable_mosaic.version = 14 : i64} {
  func.func @_scale_body(%arg0: i32, %arg1: memref<2000x128xf32, #tpu.memory_space<vmem>>, %arg2: memref<128x128xf32, #tpu.memory_space<vmem>>, %arg3: memref<2000x8xf32, #tpu.memory_space<vmem>>, %arg4: memref<2000x8xf32, #tpu.memory_space<vmem>>, %arg5: memref<2000x128xf32, #tpu.memory_space<vmem>>) attributes {dimension_semantics = [#tpu.dimension_semantics<arbitrary>], iteration_bounds = array<i64: 5>, scalar_prefetch = 0 : i64, scratch_operands = 0 : i64, tpu.core_type = #tpu.core_type<tc>, window_params = [{transform_indices = @transform_0, window_bounds = array<i64: 2000, 128>}, {pipeline_mode = #tpu.pipeline_mode<synchronous>, transform_indices = @transform_1, window_bounds = array<i64: 128, 128>}, {transform_indices = @transform_2, window_bounds = array<i64: 2000, 8>}, {transform_indices = @transform_3, window_bounds = array<i64: 2000, 8>}, {transform_indices = @transform_4, window_bounds = array<i64: 2000, 128>}]} {
    %get3A = arith.constant 0 : index
    %get3A_0 = arith.constant 0 : index
    %get3A_1 = vector.load %arg3[%get3A, %get3A_0] : memref<2000x8xf32, #tpu.memory_space<vmem>>, vector<2000x1xf32>
    %get3A_2 = arith.constant 0 : index
    %get3A_3 = arith.constant 0 : index
    %get3A_4 = vector.load %arg4[%get3A_2, %get3A_3] : memref<2000x8xf32, #tpu.memory_space<vmem>>, vector<2000x1xf32>
    %add3A = arith.addf %get3A_1, %get3A_4 : vector<2000x1xf32>
    %add3A_5 = arith.constant 1.000000e+00 : f32
    %add3A_6 = vector.broadcast %add3A_5 : f32 to vector<2000x1xf32>
    %add3A_7 = arith.addf %add3A, %add3A_6 : vector<2000x1xf32>
    %rsqrt3A = math.rsqrt %add3A_7 : vector<2000x1xf32>
    %get3A_8 = arith.constant 0 : index
    %get3A_9 = arith.constant 0 : index
    %get3A_10 = vector.load %arg1[%get3A_8, %get3A_9] : memref<2000x128xf32, #tpu.memory_space<vmem>>, vector<2000x128xf32>
    %get3A_11 = arith.constant 0 : index
    %get3A_12 = arith.constant 0 : index
    %get3A_13 = vector.load %arg2[%get3A_11, %get3A_12] : memref<128x128xf32, #tpu.memory_space<vmem>>, vector<128x128xf32>
    %dot_general3A = arith.constant dense<0.000000e+00> : vector<2000x128xf32>
    %dot_general3A_14 = tpu.matmul %get3A_10, %get3A_13, %dot_general3A {dimension_numbers = #tpu.dot_dimension_numbers<[1], [0], [0], [1], [0, 0, 1, 1], [], []>, transpose_lhs_hint = false} : vector<2000x128xf32>, vector<128x128xf32>, vector<2000x128xf32> -> vector<2000x128xf32>
    %mul3A = vector.broadcast %rsqrt3A : vector<2000x1xf32> to vector<2000x128xf32>
    %mul3A_15 = arith.mulf %dot_general3A_14, %mul3A : vector<2000x128xf32>
    %swap3A = arith.constant 0 : index
    %swap3A_16 = arith.constant 0 : index
    %swap3A_17 = vector.load %arg5[%swap3A, %swap3A_16] : memref<2000x128xf32, #tpu.memory_space<vmem>>, vector<2000x128xf32>
    tpu.vector_store %arg5[%swap3A, %swap3A_16], %mul3A_15 {strides = array<i32>} : memref<2000x128xf32, #tpu.memory_space<vmem>>, vector<2000x128xf32>,
    return
  }
  func.func @transform_0(%arg0: i32) -> (i32, i32) {
    %c0_i32 = arith.constant 0 : i32
    %c0_i32_0 = arith.constant 0 : i32
    return %arg0, %c0_i32 : i32, i32
  }
  func.func @transform_1(%arg0: i32) -> (i32, i32) {
    %c0_i32 = arith.constant 0 : i32
    %c0_i32_0 = arith.constant 0 : i32
    %c0_i32_1 = arith.constant 0 : i32
    return %c0_i32, %c0_i32_0 : i32, i32
  }
  func.func @transform_2(%arg0: i32) -> (i32, i32) {
    %c0_i32 = arith.constant 0 : i32
    %c0_i32_0 = arith.constant 0 : i32
    return %arg0, %c0_i32 : i32, i32
  }
  func.func @transform_3(%arg0: i32) -> (i32, i32) {
    %c0_i32 = arith.constant 0 : i32
    %c0_i32_0 = arith.constant 0 : i32
    return %arg0, %c0_i32 : i32, i32
  }
  func.func @transform_4(%arg0: i32) -> (i32, i32) {
    %c0_i32 = arith.constant 0 : i32
    %c0_i32_0 = arith.constant 0 : i32
    return %arg0, %c0_i32 : i32, i32
  }
}

module attributes {stable_mosaic.version = 14 : i64} {
  func.func @_final_body(%arg0: i32, %arg1: memref<2000x128xf32, #tpu.memory_space<vmem>>, %arg2: memref<2000x128xf32, #tpu.memory_space<vmem>>, %arg3: memref<2000x128xf32, #tpu.memory_space<vmem>>, %arg4: memref<2000x128xf32, #tpu.memory_space<vmem>>, %arg5: memref<2000x8xf32, #tpu.memory_space<vmem>>, %arg6: memref<2000x8xf32, #tpu.memory_space<vmem>>, %arg7: memref<1x128xf32, #tpu.memory_space<vmem>>, %arg8: memref<1x128xf32, #tpu.memory_space<vmem>>, %arg9: memref<1x128xf32, #tpu.memory_space<vmem>>, %arg10: memref<2000x128xf32, #tpu.memory_space<vmem>>) attributes {dimension_semantics = [#tpu.dimension_semantics<arbitrary>], iteration_bounds = array<i64: 5>, scalar_prefetch = 0 : i64, scratch_operands = 0 : i64, tpu.core_type = #tpu.core_type<tc>, window_params = [{transform_indices = @transform_0, window_bounds = array<i64: 2000, 128>}, {transform_indices = @transform_1, window_bounds = array<i64: 2000, 128>}, {transform_indices = @transform_2, window_bounds = array<i64: 2000, 128>}, {transform_indices = @transform_3, window_bounds = array<i64: 2000, 128>}, {transform_indices = @transform_4, window_bounds = array<i64: 2000, 8>}, {transform_indices = @transform_5, window_bounds = array<i64: 2000, 8>}, {pipeline_mode = #tpu.pipeline_mode<synchronous>, transform_indices = @transform_6, window_bounds = array<i64: 1, 128>}, {pipeline_mode = #tpu.pipeline_mode<synchronous>, transform_indices = @transform_7, window_bounds = array<i64: 1, 128>}, {pipeline_mode = #tpu.pipeline_mode<synchronous>, transform_indices = @transform_8, window_bounds = array<i64: 1, 128>}, {transform_indices = @transform_9, window_bounds = array<i64: 2000, 128>}]} {
    %get3A = arith.constant 0 : index
    %get3A_0 = arith.constant 0 : index
    %get3A_1 = vector.load %arg5[%get3A, %get3A_0] : memref<2000x8xf32, #tpu.memory_space<vmem>>, vector<2000x1xf32>
    %get3A_2 = arith.constant 0 : index
    %get3A_3 = arith.constant 0 : index
    %get3A_4 = vector.load %arg6[%get3A_2, %get3A_3] : memref<2000x8xf32, #tpu.memory_space<vmem>>, vector<2000x1xf32>
    %add3A = arith.addf %get3A_1, %get3A_4 : vector<2000x1xf32>
    %add3A_5 = arith.constant 1.000000e+00 : f32
    %add3A_6 = vector.broadcast %add3A_5 : f32 to vector<2000x1xf32>
    %add3A_7 = arith.addf %add3A, %add3A_6 : vector<2000x1xf32>
    %rsqrt3A = math.rsqrt %add3A_7 : vector<2000x1xf32>
    %get3A_8 = arith.constant 0 : index
    %get3A_9 = arith.constant 0 : index
    %get3A_10 = vector.load %arg3[%get3A_8, %get3A_9] : memref<2000x128xf32, #tpu.memory_space<vmem>>, vector<2000x128xf32>
    %get3A_11 = arith.constant 0 : index
    %get3A_12 = arith.constant 0 : index
    %get3A_13 = vector.load %arg4[%get3A_11, %get3A_12] : memref<2000x128xf32, #tpu.memory_space<vmem>>, vector<2000x128xf32>
    %add3A_14 = arith.addf %get3A_10, %get3A_13 : vector<2000x128xf32>
    %get3A_15 = arith.constant 0 : index
    %get3A_16 = arith.constant 0 : index
    %get3A_17 = vector.load %arg2[%get3A_15, %get3A_16] : memref<2000x128xf32, #tpu.memory_space<vmem>>, vector<2000x128xf32>
    %add3A_18 = arith.addf %add3A_14, %get3A_17 : vector<2000x128xf32>
    %mul3A = vector.broadcast %rsqrt3A : vector<2000x1xf32> to vector<2000x128xf32>
    %mul3A_19 = arith.mulf %mul3A, %add3A_18 : vector<2000x128xf32>
    %get3A_20 = arith.constant 0 : index
    %get3A_21 = arith.constant 0 : index
    %get3A_22 = vector.load %arg7[%get3A_20, %get3A_21] : memref<1x128xf32, #tpu.memory_space<vmem>>, vector<1x128xf32>
    %add3A_23 = vector.broadcast %get3A_22 : vector<1x128xf32> to vector<2000x128xf32>
    %add3A_24 = arith.addf %mul3A_19, %add3A_23 : vector<2000x128xf32>
    %get3A_25 = arith.constant 0 : index
    %get3A_26 = arith.constant 0 : index
    %get3A_27 = vector.load %arg1[%get3A_25, %get3A_26] : memref<2000x128xf32, #tpu.memory_space<vmem>>, vector<2000x128xf32>
    %add3A_28 = arith.addf %get3A_27, %add3A_24 : vector<2000x128xf32>
    %reduce_sum3A = arith.constant dense<0.000000e+00> : vector<2000xf32>
    %reduce_sum3A_29 = vector.multi_reduction <add>, %add3A_28, %reduce_sum3A [1] : vector<2000x128xf32> to vector<2000xf32>
    %broadcast_in_dim3A = vector.shape_cast %reduce_sum3A_29 : vector<2000xf32> to vector<2000x1xf32>
    %div3A = arith.constant 1.280000e+02 : f32
    %div3A_30 = vector.broadcast %div3A : f32 to vector<2000x1xf32>
    %div3A_31 = arith.divf %broadcast_in_dim3A, %div3A_30 : vector<2000x1xf32>
    %sub3A = vector.broadcast %div3A_31 : vector<2000x1xf32> to vector<2000x128xf32>
    %sub3A_32 = arith.subf %add3A_28, %sub3A : vector<2000x128xf32>
    %mul3A_33 = arith.mulf %sub3A_32, %sub3A_32 : vector<2000x128xf32>
    %reduce_sum3A_34 = arith.constant dense<0.000000e+00> : vector<2000xf32>
    %reduce_sum3A_35 = vector.multi_reduction <add>, %mul3A_33, %reduce_sum3A_34 [1] : vector<2000x128xf32> to vector<2000xf32>
    %broadcast_in_dim3A_36 = vector.shape_cast %reduce_sum3A_35 : vector<2000xf32> to vector<2000x1xf32>
    %div3A_37 = arith.constant 1.280000e+02 : f32
    %div3A_38 = vector.broadcast %div3A_37 : f32 to vector<2000x1xf32>
    %div3A_39 = arith.divf %broadcast_in_dim3A_36, %div3A_38 : vector<2000x1xf32>
    %add3A_40 = arith.constant 9.99999974E-6 : f32
    %add3A_41 = vector.broadcast %add3A_40 : f32 to vector<2000x1xf32>
    %add3A_42 = arith.addf %div3A_39, %add3A_41 : vector<2000x1xf32>
    %rsqrt3A_43 = math.rsqrt %add3A_42 : vector<2000x1xf32>
    %mul3A_44 = vector.broadcast %rsqrt3A_43 : vector<2000x1xf32> to vector<2000x128xf32>
    %mul3A_45 = arith.mulf %sub3A_32, %mul3A_44 : vector<2000x128xf32>
    %get3A_46 = arith.constant 0 : index
    %get3A_47 = arith.constant 0 : index
    %get3A_48 = vector.load %arg8[%get3A_46, %get3A_47] : memref<1x128xf32, #tpu.memory_space<vmem>>, vector<1x128xf32>
    %mul3A_49 = vector.broadcast %get3A_48 : vector<1x128xf32> to vector<2000x128xf32>
    %mul3A_50 = arith.mulf %mul3A_45, %mul3A_49 : vector<2000x128xf32>
    %get3A_51 = arith.constant 0 : index
    %get3A_52 = arith.constant 0 : index
    %get3A_53 = vector.load %arg9[%get3A_51, %get3A_52] : memref<1x128xf32, #tpu.memory_space<vmem>>, vector<1x128xf32>
    %add3A_54 = vector.broadcast %get3A_53 : vector<1x128xf32> to vector<2000x128xf32>
    %add3A_55 = arith.addf %mul3A_50, %add3A_54 : vector<2000x128xf32>
    %max3A = arith.constant 0.000000e+00 : f32
    %max3A_56 = vector.broadcast %max3A : f32 to vector<2000x128xf32>
    %max3A_57 = arith.maximumf %add3A_55, %max3A_56 : vector<2000x128xf32>
    %swap3A = arith.constant 0 : index
    %swap3A_58 = arith.constant 0 : index
    %swap3A_59 = vector.load %arg10[%swap3A, %swap3A_58] : memref<2000x128xf32, #tpu.memory_space<vmem>>, vector<2000x128xf32>
    tpu.vector_store %arg10[%swap3A, %swap3A_58], %max3A_57 {strides = array<i32>} : memref<2000x128xf32, #tpu.memory_space<vmem>>, vector<2000x128xf32>,
    return
  }
  func.func @transform_0(%arg0: i32) -> (i32, i32) {
    %c0_i32 = arith.constant 0 : i32
    %c0_i32_0 = arith.constant 0 : i32
    return %arg0, %c0_i32 : i32, i32
  }
  func.func @transform_1(%arg0: i32) -> (i32, i32) {
    %c0_i32 = arith.constant 0 : i32
    %c0_i32_0 = arith.constant 0 : i32
    return %arg0, %c0_i32 : i32, i32
  }
  func.func @transform_2(%arg0: i32) -> (i32, i32) {
    %c0_i32 = arith.constant 0 : i32
    %c0_i32_0 = arith.constant 0 : i32
    return %arg0, %c0_i32 : i32, i32
  }
  func.func @transform_3(%arg0: i32) -> (i32, i32) {
    %c0_i32 = arith.constant 0 : i32
    %c0_i32_0 = arith.constant 0 : i32
    return %arg0, %c0_i32 : i32, i32
  }
  func.func @transform_4(%arg0: i32) -> (i32, i32) {
    %c0_i32 = arith.constant 0 : i32
    %c0_i32_0 = arith.constant 0 : i32
    return %arg0, %c0_i32 : i32, i32
  }
  func.func @transform_5(%arg0: i32) -> (i32, i32) {
    %c0_i32 = arith.constant 0 : i32
    %c0_i32_0 = arith.constant 0 : i32
    return %arg0, %c0_i32 : i32, i32
  }
  func.func @transform_6(%arg0: i32) -> (i32, i32) {
    %c0_i32 = arith.constant 0 : i32
    %c0_i32_0 = arith.constant 0 : i32
    %c0_i32_1 = arith.constant 0 : i32
    return %c0_i32, %c0_i32_0 : i32, i32
  }
  func.func @transform_7(%arg0: i32) -> (i32, i32) {
    %c0_i32 = arith.constant 0 : i32
    %c0_i32_0 = arith.constant 0 : i32
    %c0_i32_1 = arith.constant 0 : i32
    return %c0_i32, %c0_i32_0 : i32, i32
  }
  func.func @transform_8(%arg0: i32) -> (i32, i32) {
    %c0_i32 = arith.constant 0 : i32
    %c0_i32_0 = arith.constant 0 : i32
    %c0_i32_1 = arith.constant 0 : i32
    return %c0_i32, %c0_i32_0 : i32, i32
  }
  func.func @transform_9(%arg0: i32) -> (i32, i32) {
    %c0_i32 = arith.constant 0 : i32
    %c0_i32_0 = arith.constant 0 : i32
    return %arg0, %c0_i32 : i32, i32
  }
}

</mosaic_0001>

<sc_bundles>
// kernel: kernel.6.cloned.1.call-start
scs
__scs_entry_jumppad:
0x0: {  	(pc) =	sbr.rel $0x88, $3  }
0x1: {  	(tag) =	ssettag $0x0;
	lr =	simm.s32 $0x1  }
0x2: {  	[smem:$0x3F9B] =	sst lr;
	_ =	strace $0xD0000000  }
0x3: {  	_ = 	snop  }
0x4: {  	_ = 	snop  }
0x5: {  	_ = 	snop  }
0x6: {  	_ = 	snop  }
0x7: {  	_ = 	snop  }
__scs_overlays_trampoline_lowered:
0x8: {  	[smem:$0x3FAA] =	sst s0  }
0x9: {  	[smem:$0x3FAB] =	sst s1  }
0xa: {  	[smem:$0x3FAC] =	sst s2  }
0xb: {  	[smem:$0x3FAD] =	sst s3  }
0xc: {  	[smem:$0x3FAE] =	sst s4  }
0xd: {  	[smem:$0x3FAF] =	sst s5  }
0xe: {  	[smem:$0x3FB0] =	sst s6  }
0xf: {  	[smem:$0x3FB1] =	sst s7  }
0x10: {  	[smem:$0x3FB2] =	sst s8  }
0x11: {  	[smem:$0x3FB3] =	sst s9;
	s0 =	simm.s32 @!p0 $0x0  }
0x12: {  	s1 =	sld [smem:$0x3F99];
	s0 =	simm.s32 @p0 $0x1  }
0x13: {  	[smem:$0x3FB4] =	sst s0;
	s0 =	simm.s32 @!p1 $0x0  }
0x14: {  	s2 =	sld [smem:$0x3F98];
	s0 =	simm.s32 @p1 $0x1  }
0x15: {  	[smem:$0x3FB5] =	sst s0;
	s0 =	simm.s32 @!p2 $0x0  }
0x16: {  	s3 =	sld [smem:$0x3FDB];
	s0 =	simm.s32 @p2 $0x1  }
0x17: {  	s4 =	simm.s32 $0x1BF5;
	[smem:$0x3FB7] =	sst s0  }
0x18: {  	s0 =	sld [smem:$0x3F9A];
	_ =	swait.ge [sflag:s4], $0x0  }
0x19: {  	s7 =	sld [smem:$0x3F9B]  }
0x1a: {  	s8 =	sadd.s32 $0xFFFFE003, lr  }
0x1b: {  	s9 =	sadd.s32 $0xFFFFFEF7, lr;
	s5 =	simm.s32 $0xFFFFFFFF;
	p2 =	slt.u32 s8, $0xFFFFF086  }
0x1c: {  	p1 =	slt.u32 s9, $0xF7A;
	s5 =	simm.s32 @!p2 $0x0  }
0x1d: {  	s5 =	simm.s32 @p1 $0x1;
	p0 =	seq.s32 s7, s2  }
0x1e: {  	s7 =	smul.u32 @!p0 $0xF7A, s2;
	p2 =	seq.s32 @!p0 s5, $0x0  }
0x1f: {  	s9 =	smul.u32 $0xF7A, s1;
	s8 =	simm.s32 @!p0 $0x1BF5;
	p2 =	por !p2, p0  }
0x20: {  	[sflag:s8] =	ssyncset.s32 @!p0 $0xFFFFF086;
	s6 =	sadd.s32 @!p0 s3, s7;
	s7 =	simm.s32 @!p0 $0x108  }
0x21: {  	s3 =	sadd.s32 s3, s9;
	s6 =	sadd.s32 @!p0 $0x88, s6;
	s7 =	simm.s32 @p2 $0x1082  }
0x22: {  	[simem:s7], [sflag:s8] =	dma.local @!p0 [hbm:s6], $0xF7A  }
0x23: {  	s9 =	sor.u32 $0xD0000000, s2;
	s6 =	simm.s32 $0x108;
	_ =	swait.ge @!p0 [sflag:s8], $0x0  }
0x24: {  	s3 =	sadd.s32 $0x88, s3;
	s6 =	simm.s32 @!p1 $0x1082;
	[sflag:s4] =	ssyncset.s32 $0xFFFFF086  }
0x25: {  	[simem:s6], [sflag:s4] =	dma.local [hbm:s3], $0xF7A  }
0x26: {  	[smem:$0x3F9B] =	sst s1;
	(tag) =	ssettag s2;
	_ =	strace s9  }
0x27: {  	s1 =	sld [smem:$0x3FAB]  }
0x28: {  	s2 =	sld [smem:$0x3FAC]  }
0x29: {  	s4 =	sld [smem:$0x3FAE]  }
0x2a: {  	p0 =	seq.s32 s5, $0x0;
	s5 =	sld [smem:$0x3FAF]  }
0x2b: {  	s6 =	sld [smem:$0x3FB0]  }
0x2c: {  	s7 =	sld [smem:$0x3FB1]  }
0x2d: {  	s3 =	simm.s32 $0x108;
	s8 =	sld [smem:$0x3FB2]  }
0x2e: {  	s3 =	simm.s32 @!p0 $0x1082;
	s9 =	sld [smem:$0x3FB3]  }
0x2f: {  	lr =	sadd.s32 s0, s3;
	s0 =	sld [smem:$0x3FAA]  }
0x30: {  	s3 =	sld [smem:$0x3FAD]  }
0x31: {  	[smem:$0x3FB6] =	sst s10  }
0x32: {  	s10 =	sld [smem:$0x3FB4];
	_ =	sdelay $0x3  }
0x33: {  	p0 =	seq.s32 s10, $0x1;
	s10 =	sld [smem:$0x3FB6];
	_ =	sdelay $0x3  }
0x34: {  	[smem:$0x3FB6] =	sst s10  }
0x35: {  	s10 =	sld [smem:$0x3FB5];
	_ =	sdelay $0x3  }
0x36: {  	p1 =	seq.s32 s10, $0x1;
	s10 =	sld [smem:$0x3FB6];
	_ =	sdelay $0x3  }
0x37: {  	[smem:$0x3FB6] =	sst s10  }
0x38: {  	s10 =	sld [smem:$0x3FB7]  }
0x39: {  	_ = 	snop;
	(pc) =	sbr.ind lr, $3  }
0x3a: {  	_ = 	snop  }
0x3b: {  	_ = 	snop  }
0x3c: {  	p2 =	seq.s32 s10, $0x1;
	s10 =	sld [smem:$0x3FB6]  }
0x3d: {  	_ =	shalt  }
0x3e: {  	_ =	shalt  }
0x3f: {  	_ =	shalt  }
0x40: {  	_ =	shalt  }
0x41: {  	_ =	shalt  }
0x42: {  	_ =	shalt  }
0x43: {  	_ =	shalt  }
0x44: {  	_ =	shalt  }
0x45: {  	_ =	shalt  }
0x46: {  	_ =	shalt  }
0x47: {  	_ =	shalt  }
0x48: {  	_ =	shalt  }
0x49: {  	_ =	shalt  }
0x4a: {  	_ =	shalt  }
0x4b: {  	_ =	shalt  }
0x4c: {  	_ =	shalt  }
0x4d: {  	_ =	shalt  }
0x4e: {  	_ =	shalt  }
0x4f: {  	_ =	shalt  }
0x50: {  	_ =	shalt  }
0x51: {  	_ =	shalt  }
0x52: {  	_ =	shalt  }
0x53: {  	_ =	shalt  }
0x54: {  	_ =	shalt  }
0x55: {  	_ =	shalt  }
0x56: {  	_ =	shalt  }
0x57: {  	_ =	shalt  }
0x58: {  	_ =	shalt  }
0x59: {  	_ =	shalt  }
0x5a: {  	_ =	shalt  }
0x5b: {  	_ =	shalt  }
0x5c: {  	_ =	shalt  }
0x5d: {  	_ =	shalt  }
0x5e: {  	_ =	shalt  }
0x5f: {  	_ =	shalt  }
0x60: {  	_ =	shalt  }
0x61: {  	_ =	shalt  }
0x62: {  	_ =	shalt  }
0x63: {  	_ =	shalt  }
0x64: {  	_ =	shalt  }
0x65: {  	_ =	shalt  }
0x66: {  	_ =	shalt  }
0x67: {  	_ =	shalt  }
0x68: {  	_ =	shalt  }
0x69: {  	_ =	shalt  }
0x6a: {  	_ =	shalt  }
0x6b: {  	_ =	shalt  }
0x6c: {  	_ =	shalt  }
0x6d: {  	_ =	shalt  }
0x6e: {  	_ =	shalt  }
0x6f: {  	_ =	shalt  }
0x70: {  	_ =	shalt  }
0x71: {  	_ =	shalt  }
0x72: {  	_ =	shalt  }
0x73: {  	_ =	shalt  }
0x74: {  	_ =	shalt  }
0x75: {  	_ =	shalt  }
0x76: {  	_ =	shalt  }
0x77: {  	_ =	shalt  }
0x78: {  	_ =	shalt  }
0x79: {  	_ =	shalt  }
0x7a: {  	_ =	shalt  }
0x7b: {  	_ =	shalt  }
0x7c: {  	_ =	shalt  }
0x7d: {  	_ =	shalt  }
0x7e: {  	_ =	shalt  }
0x7f: {  	_ =	shalt  }
0x80: {  	_ =	shalt  }
0x81: {  	_ =	shalt  }
0x82: {  	_ =	shalt  }
0x83: {  	_ =	shalt  }
0x84: {  	_ =	shalt  }
0x85: {  	_ =	shalt  }
0x86: {  	_ =	shalt  }
0x87: {  	_ =	shalt  }
.Lfunc_end0:
.L_simem_size_0:
called_computation_lowered:
.L_overlay_start_0:
0x88: {  	s2 =	sld [smem:$0x3FD9]  }
0x89: {  	s3 =	sld [smem:$0x3FFE];
	_ =	sdelay $0x1  }
0x8a: {  	s1 =	srdreg.scid  }
0x8b: {  	s0 =	sand.u32 $0x1, s1  }
0x8c: {  	s17 =	sshll.u32 s0, $0xA;
	s2 =	sadd.s32 s3, s2  }
0x8d: {  	s2 =	sadd.s32 s2, s17  }
0x8e: {  	[smem:$0x3FC2] =	sst s2  }
0x8f: {  	_ = 	snop  }
0x90: {  	s2 =	sld [smem:$0x3FD0];
	(tm) =	ssettm $0x1  }
0x91: {  	s18 =	sld [smem:$0x3FFB];
	_ =	sdelay $0x3  }
0x92: {  	_ =	strace s18  }
0x93: {  	s3 =	sld [smem:$0x3FFC];
	_ =	sdelay $0x3  }
0x94: {  	_ =	strace s3  }
0x95: {  	s3 =	sld [smem:$0x3FFD];
	_ =	sdelay $0x3  }
0x96: {  	_ =	strace s3  }
0x97: {  	_ =	strace $0x8FFFFFFF  }
0x98: {  	s19 =	sld [smem:$0x3FDB];
	_ =	sdelay $0x1  }
0x99: {  	s4 =	simm.s32 $_scs_section_size  }
0x9a: {  	s5 =	simm.s32 $_size__tile_overlayer_lowered;
	s6 =	simm.s32 $_tile_overlayer_lowered  }
0x9b: {  	s22 =	simm.s32 $0x1BFF;
	s21 =	sshll.u32 s6, $0x1;
	s3 =	sadd.s32 s4, s19  }
0x9c: {  	s7 =	simm.s32 $0x0;
	s20 =	sshll.u32 s5, $0x1;
	s5 =	sadd.s32 s21, s3  }
0x9d: {  	[timem:s7], [sflag:s22] =	dma.local [hbm:s5], s20  }
0x9e: {  	_ =	swait.ge [sflag:s22], s20  }
0x9f: {  	s4 =	ssub.s32 $0x0, s20;
	[sflag:s22] =	ssyncset.done $0x0  }
0xa0: {  	[sflag:s22] =	ssyncadd.s32 s4;
	_ =	sdelay $0x1  }
0xa1: {  	s23 =	simm.s32 $0x1B8B  }
0xa2: {  	_ =	swait.ge [sflag:s23], $0x1  }
0xa3: {  	[sflag:s23] =	ssyncset.done $0x0  }
0xa4: {  	s25 =	simm.s32 $0x1B8E;
	s24 =	sld [smem:$0x3FFE];
	[sflag:s23] =	ssyncadd.s32 $0xFFFFFFFF  }
0xa5: {  	s26 =	simm.s32 $execute0_lowered;
	[smem:$0x3FD2] =	sst s25  }
0xa6: {  	s5 =	sshll.u32 s26, $0x1;
	_ =	strace $0x80000046;
	[dreg:$0x1] =	wrdreg $0xFFFFFFFF  }
0xa7: {  	s28 =	simm.s32 $_size_execute0_lowered;
	s3 =	sadd.s32 s3, s5;
	[dreg:$0x0] =	wrdreg $0x0  }
0xa8: {  	s5 =	sshll.u32 s28, $0x1;
	[dreg:$0x2] =	wrdreg s3  }
0xa9: {  	[dreg:$0x3] =	wrdreg s5  }
0xaa: {  	[dreg:$0x4] =	wrdreg $0xC0  }
0xab: {  	_ =	task [dreg:s7], $0x5FFFF  }
0xac: {  	[dreg:$0x1] =	wrdreg $0xFFFFFFFF  }
0xad: {  	[dreg:$0x0] =	wrdreg $0x60  }
0xae: {  	[dreg:$0x2] =	wrdreg s24  }
0xaf: {  	[dreg:$0x3] =	wrdreg s2  }
0xb0: {  	[dreg:$0x4] =	wrdreg $0x68000  }
0xb1: {  	[dreg:$0x5] =	wrdreg $0x9  }
0xb2: {  	_ =	task.clear_ibuf [dreg:s7], $0x6FFFF;
	_ =	strace $0x90000046  }
0xb3: {  	s29 =	simm.s32 $0x9;
	_ =	strace $0x80000048  }
0xb4: {  	_ =	swait.ge [sflag:s29], $0x1  }
0xb5: {  	[sflag:s29] =	ssyncadd.s32 $0xFFFFFFFF  }
0xb6: {  	_ =	strace $0x90000048  }
0xb7: {  	_ =	sfence  }
0xb8: {  	s30 =	sld [smem:$0x0];
	_ =	sdelay $0x2  }
0xb9: {  	s31 =	sshll.u32 s1, $0xD;
	s1 =	sshrl.u32 s1, $0x2  }
0xba: {  	s3 =	sand.u32 $0x4000, s31;
	s1 =	sadd.s32 s1, s30  }
0xbb: {  	s0 =	sor.u32 s3, s0;
	s1 =	sshll.u32 s1, $0x11  }
0xbc: {  	s0 =	sor.u32 s1, s0  }
0xbd: {  	s0 =	sadd.s32 $0x8F2B, s0  }
0xbe: {  	[sflag:s0] =	ssyncadd.remote.s32 $0x1  }
0xbf: {  	_ =	sfence.sel $0xFFFF  }
0xc0: {  	[dreg:$0x0] =	wrdreg $0xFFFFFFFF;
	(pc) =	sbr.abs _section_cstart, $3  }
0xc1: {  	[dreg:$0x1] =	wrdreg $0xFFFFFFFF  }
0xc2: {  	_ =	task.clear_ibuf [dreg:s7], $0x2FFFF;
	_ =	strace $0x9FFFFFFF  }
0xc3: {  	(tm) =	ssettm $0x7FFFFFFF  }
tec
execute0_lowered:
.L_overlay_start_1:
0x0: {  	(tag) =	ssettag $0x1  }
0x1: {  	s6 =	rddreg [dreg:$0x0]  }
0x2: {  	s1 =	srdreg.scid;
	s2 =	rddreg [dreg:$0x1]  }
0x3: {  	s0 =	stileid.u32;
	s3 =	rddreg [dreg:$0x2];
	s4 =	simm.s32 $0x0  }
0x4: {  	s14 =	simm.s32 $0x1;
	s15 =	simm.s32 $0x0;
	s8 =	smul.u32 $0x2800, s0  }
0x5: {  	s7 =	sand.u32 $0x1, s1;
	s29 =	sshll.u32 s0, $0x1;
	s30 =	smul.u32 $0x50000, s0  }
0x6: {  	[smem:$0x7FF] =	sst s4;
	s1 =	sor.u32 s7, s29;
	s9 =	smul.u32 $0x28000, s7  }
0x7: {  	s11 =	sshll.u32 s0, $0x6;
	s31 =	ssub.s32 $0x2, s7;
	s5 =	smul.u32 $0x500, s1  }
0x8: {  	s1 =	rddreg [dreg:$0x3];
	_ =	strace $0x80000047;
	s7 =	sshrl.u32 s31, $0x1  }
0x9: {  	s8 =	sadd.s32 s8, s9;
	s9 =	sshrl.u32 s30, $0x2;
	s12 =	ssub.s32 s31, s7  }
0xa: {  	s10 =	sadd.s32 s5, s6;
	s5 =	sadd.s32 $0x16400, s6;
	s8 =	sadd.s32 s8, s6  }
0xb: {  	s13 =	sadd.s32 s9, s3;
	s6 =	sor.u32 $0x1C02, s11;
	s9 =	smax.u32 s12, $0x1  }
0xc: {  	s11 =	simm.s32 $0x2;
	s12 =	simm.s32 $0x2800;
	s7 =	sadd.s32 $0x2400, s10  }
0xd: {  	s8 =	sadd.s32 $0x18C00, s8;
	s10 =	sshrl.u32 s13, $0x3;
	s13 =	simm.s32 $0x80  }
.LBB2_1:
0xe: {  	[spmem:s10], [sflag:s6] =	dma.local [hbm:s5], $0x2800  }
0xf: {  	_ =	swait.ge [sflag:s11], $0x2800  }
0x10: {  	[sflag:s11] =	ssyncset.done $0x0  }
0x11: {  	[sflag:s11] =	ssyncadd.s32 $0xFFFFD800  }
0x12: {  	[tilespmem:s4], [sflag:$0x2] =	stream.linear.gather [hbm4b:s7+s4], $0x2800, $0x38;
	[tilespmem:$0x1A800] =	vst v63  }
0x13: {  	_ =	swait.ge [sflag:s11], $0x2800  }
0x14: {  	[sflag:s11] =	ssyncset.done $0x0  }
0x15: {  	[sflag:s11] =	ssyncadd.s32 $0xFFFFD800  }
0x16: {  	[tilespmem:s12], [sflag:$0x2] =	stream.linear.gather [hbm4b:s2+s4], $0x4000, $0x38;
	[tilespmem:$0x1A800] =	vst v63  }
0x17: {  	_ =	swait.ge [sflag:s11], $0x4000  }
0x18: {  	[sflag:s11] =	ssyncset.done $0x0  }
0x19: {  	[sflag:s11] =	ssyncadd.s32 $0xFFFFC000  }
0x1a: {  	s16 =	simm.s32 $0x0;
	[bflag:$0x0] =	sbarrier.arrive $0xFFFF  }
.LBB2_2:
0x1b: {  	p0 =	sne.s32 s16, $0x9E00  }
.Ltmp0:
0x1c: {  	_ = 	snop;
	(pc) =	sbr.rel @p0 .LBB2_2-.Ltmp0, $3  }
0x1d: {  	_ =	sdelay $0x1  }
0x1e: {  	s17 =	sshra.s32 s16, $0x2;
	s16 =	sadd.s32 $0x200, s16  }
0x1f: {  	[spmem:s3] =	stream.indirect.scatter.add.f32 [tilespmem:s12], [sflag:$0x1], $0x80, s17, s13, $0xb8;
	[tilespmem:$0x1A800] =	vst v63  }
0x20: {  	_ =	swait.ge [sflag:s14], $0x4000  }
0x21: {  	s16 =	simm.s32 $0x4F;
	[sflag:s14] =	ssyncset.done $0x0  }
.LBB2_4:
0x22: {  	p0 =	sne.s32 s16, $0x1;
	s16 =	sadd.s32 $0xFFFFFFFF, s16;
	[sflag:s14] =	ssyncadd.s32 $0xFFFFC000  }
.Ltmp1:
0x23: {  	(pc) =	sbr.rel @p0 .LBB2_4-.Ltmp1, $3  }
0x24: {  	_ =	sdelay $0x1  }
0x25: {  	_ =	swait.ge [sflag:s14], $0x4000  }
0x26: {  	[sflag:s14] =	ssyncset.done $0x0  }
0x27: {  	s15 =	sadd.s32 $0x1, s15  }
0x28: {  	[sflag:s14] =	ssyncadd.s32 $0xFFFFC000;
	p0 =	sne.s32 s15, s9  }
.Ltmp2:
0x29: {  	[bflag:$0x0] =	sbarrier.arrive $0xFFFF;
	(pc) =	sbr.rel @p0 .LBB2_1-.Ltmp2, $4  }
0x2a: {  	[hbm:s8], [sflag:s6] =	dma.local [spmem:s10], $0x2800  }
0x2b: {  	_ =	swait.ge [sflag:s11], $0x2800  }
0x2c: {  	[sflag:s11] =	ssyncset.done $0x0  }
0x2d: {  	[sflag:s11] =	ssyncadd.s32 $0xFFFFD800  }
0x2e: {  	_ =	sfence.sel $0x180000  }
0x2f: {  	[bflag:$0x0] =	sbarrier.arrive $0xFFFF  }
0x30: {  	p0 =	sne.s32 s0, $0x0;
	_ =	strace $0x90000047  }
0x31: {  	s0 =	sadd.s32 @!p0 $0x100000, s1;
	[bflag:$0x2] =	sbarrier.arrive $0xFFFF  }
0x32: {  	[sflag:s0] =	ssyncadd.tile.s32 @!p0 $0x1;
	_ =	shalt  }
.Lfunc_end2:
_tile_overlayer_lowered:
.L_overlay_start_2:
0x33: {  	(tag) =	ssettag $0x2  }
0x34: {  	s0 =	rddreg [dreg:$0x0];
	s2 =	stileid.u32  }
0x35: {  	s1 =	rddreg [dreg:$0x1];
	p0 =	sne.s32 s2, $0x0  }
0x36: {  	s3 =	rddreg [dreg:$0x2];
	[bflag:$0x3] =	sbarrier.arrive $0xFFFF;
	s2 =	simm.s32 @!p0 $0x1C02  }
0x37: {  	[timem:s3], [sflag:s2] =	dma.local @!p0 [hbm:s0], s1  }
0x38: {  	s0 =	simm.s32 @!p0 $0x2  }
0x39: {  	_ =	swait.ge @!p0 [sflag:s0], s1  }
0x3a: {  	s1 =	ssub.s32 @!p0 $0x0, s1;
	[sflag:s0] =	ssyncset.done @!p0 $0x0  }
0x3b: {  	[sflag:s0] =	ssyncadd.s32 @!p0 s1  }
0x3c: {  	[bflag:$0x3] =	sbarrier.arrive $0xFFFF  }
0x3d: {  	_ =	shalt  }

// kernel: kernel.9.cloned.1.call-start
scs
__scs_entry_jumppad:
0x0: {  	(pc) =	sbr.rel $0x88, $3  }
0x1: {  	(tag) =	ssettag $0x0;
	lr =	simm.s32 $0x1  }
0x2: {  	[smem:$0x3F9B] =	sst lr;
	_ =	strace $0xD0000000  }
0x3: {  	_ = 	snop  }
0x4: {  	_ = 	snop  }
0x5: {  	_ = 	snop  }
0x6: {  	_ = 	snop  }
0x7: {  	_ = 	snop  }
__scs_overlays_trampoline_lowered:
0x8: {  	[smem:$0x3FAA] =	sst s0  }
0x9: {  	[smem:$0x3FAB] =	sst s1  }
0xa: {  	[smem:$0x3FAC] =	sst s2  }
0xb: {  	[smem:$0x3FAD] =	sst s3  }
0xc: {  	[smem:$0x3FAE] =	sst s4  }
0xd: {  	[smem:$0x3FAF] =	sst s5  }
0xe: {  	[smem:$0x3FB0] =	sst s6  }
0xf: {  	[smem:$0x3FB1] =	sst s7  }
0x10: {  	[smem:$0x3FB2] =	sst s8  }
0x11: {  	[smem:$0x3FB3] =	sst s9;
	s0 =	simm.s32 @!p0 $0x0  }
0x12: {  	s1 =	sld [smem:$0x3F99];
	s0 =	simm.s32 @p0 $0x1  }
0x13: {  	[smem:$0x3FB4] =	sst s0;
	s0 =	simm.s32 @!p1 $0x0  }
0x14: {  	s2 =	sld [smem:$0x3F98];
	s0 =	simm.s32 @p1 $0x1  }
0x15: {  	[smem:$0x3FB5] =	sst s0;
	s0 =	simm.s32 @!p2 $0x0  }
0x16: {  	s3 =	sld [smem:$0x3FDB];
	s0 =	simm.s32 @p2 $0x1  }
0x17: {  	s4 =	simm.s32 $0x1BF5;
	[smem:$0x3FB7] =	sst s0  }
0x18: {  	s0 =	sld [smem:$0x3F9A];
	_ =	swait.ge [sflag:s4], $0x0  }
0x19: {  	s7 =	sld [smem:$0x3F9B]  }
0x1a: {  	s8 =	sadd.s32 $0xFFFFE003, lr  }
0x1b: {  	s9 =	sadd.s32 $0xFFFFFEF7, lr;
	s5 =	simm.s32 $0xFFFFFFFF;
	p2 =	slt.u32 s8, $0xFFFFF086  }
0x1c: {  	p1 =	slt.u32 s9, $0xF7A;
	s5 =	simm.s32 @!p2 $0x0  }
0x1d: {  	s5 =	simm.s32 @p1 $0x1;
	p0 =	seq.s32 s7, s2  }
0x1e: {  	s7 =	smul.u32 @!p0 $0xF7A, s2;
	p2 =	seq.s32 @!p0 s5, $0x0  }
0x1f: {  	s9 =	smul.u32 $0xF7A, s1;
	s8 =	simm.s32 @!p0 $0x1BF5;
	p2 =	por !p2, p0  }
0x20: {  	[sflag:s8] =	ssyncset.s32 @!p0 $0xFFFFF086;
	s6 =	sadd.s32 @!p0 s3, s7;
	s7 =	simm.s32 @!p0 $0x108  }
0x21: {  	s3 =	sadd.s32 s3, s9;
	s6 =	sadd.s32 @!p0 $0x88, s6;
	s7 =	simm.s32 @p2 $0x1082  }
0x22: {  	[simem:s7], [sflag:s8] =	dma.local @!p0 [hbm:s6], $0xF7A  }
0x23: {  	s9 =	sor.u32 $0xD0000000, s2;
	s6 =	simm.s32 $0x108;
	_ =	swait.ge @!p0 [sflag:s8], $0x0  }
0x24: {  	s3 =	sadd.s32 $0x88, s3;
	s6 =	simm.s32 @!p1 $0x1082;
	[sflag:s4] =	ssyncset.s32 $0xFFFFF086  }
0x25: {  	[simem:s6], [sflag:s4] =	dma.local [hbm:s3], $0xF7A  }
0x26: {  	[smem:$0x3F9B] =	sst s1;
	(tag) =	ssettag s2;
	_ =	strace s9  }
0x27: {  	s1 =	sld [smem:$0x3FAB]  }
0x28: {  	s2 =	sld [smem:$0x3FAC]  }
0x29: {  	s4 =	sld [smem:$0x3FAE]  }
0x2a: {  	p0 =	seq.s32 s5, $0x0;
	s5 =	sld [smem:$0x3FAF]  }
0x2b: {  	s6 =	sld [smem:$0x3FB0]  }
0x2c: {  	s7 =	sld [smem:$0x3FB1]  }
0x2d: {  	s3 =	simm.s32 $0x108;
	s8 =	sld [smem:$0x3FB2]  }
0x2e: {  	s3 =	simm.s32 @!p0 $0x1082;
	s9 =	sld [smem:$0x3FB3]  }
0x2f: {  	lr =	sadd.s32 s0, s3;
	s0 =	sld [smem:$0x3FAA]  }
0x30: {  	s3 =	sld [smem:$0x3FAD]  }
0x31: {  	[smem:$0x3FB6] =	sst s10  }
0x32: {  	s10 =	sld [smem:$0x3FB4];
	_ =	sdelay $0x3  }
0x33: {  	p0 =	seq.s32 s10, $0x1;
	s10 =	sld [smem:$0x3FB6];
	_ =	sdelay $0x3  }
0x34: {  	[smem:$0x3FB6] =	sst s10  }
0x35: {  	s10 =	sld [smem:$0x3FB5];
	_ =	sdelay $0x3  }
0x36: {  	p1 =	seq.s32 s10, $0x1;
	s10 =	sld [smem:$0x3FB6];
	_ =	sdelay $0x3  }
0x37: {  	[smem:$0x3FB6] =	sst s10  }
0x38: {  	s10 =	sld [smem:$0x3FB7]  }
0x39: {  	_ = 	snop;
	(pc) =	sbr.ind lr, $3  }
0x3a: {  	_ = 	snop  }
0x3b: {  	_ = 	snop  }
0x3c: {  	p2 =	seq.s32 s10, $0x1;
	s10 =	sld [smem:$0x3FB6]  }
0x3d: {  	_ =	shalt  }
0x3e: {  	_ =	shalt  }
0x3f: {  	_ =	shalt  }
0x40: {  	_ =	shalt  }
0x41: {  	_ =	shalt  }
0x42: {  	_ =	shalt  }
0x43: {  	_ =	shalt  }
0x44: {  	_ =	shalt  }
0x45: {  	_ =	shalt  }
0x46: {  	_ =	shalt  }
0x47: {  	_ =	shalt  }
0x48: {  	_ =	shalt  }
0x49: {  	_ =	shalt  }
0x4a: {  	_ =	shalt  }
0x4b: {  	_ =	shalt  }
0x4c: {  	_ =	shalt  }
0x4d: {  	_ =	shalt  }
0x4e: {  	_ =	shalt  }
0x4f: {  	_ =	shalt  }
0x50: {  	_ =	shalt  }
0x51: {  	_ =	shalt  }
0x52: {  	_ =	shalt  }
0x53: {  	_ =	shalt  }
0x54: {  	_ =	shalt  }
0x55: {  	_ =	shalt  }
0x56: {  	_ =	shalt  }
0x57: {  	_ =	shalt  }
0x58: {  	_ =	shalt  }
0x59: {  	_ =	shalt  }
0x5a: {  	_ =	shalt  }
0x5b: {  	_ =	shalt  }
0x5c: {  	_ =	shalt  }
0x5d: {  	_ =	shalt  }
0x5e: {  	_ =	shalt  }
0x5f: {  	_ =	shalt  }
0x60: {  	_ =	shalt  }
0x61: {  	_ =	shalt  }
0x62: {  	_ =	shalt  }
0x63: {  	_ =	shalt  }
0x64: {  	_ =	shalt  }
0x65: {  	_ =	shalt  }
0x66: {  	_ =	shalt  }
0x67: {  	_ =	shalt  }
0x68: {  	_ =	shalt  }
0x69: {  	_ =	shalt  }
0x6a: {  	_ =	shalt  }
0x6b: {  	_ =	shalt  }
0x6c: {  	_ =	shalt  }
0x6d: {  	_ =	shalt  }
0x6e: {  	_ =	shalt  }
0x6f: {  	_ =	shalt  }
0x70: {  	_ =	shalt  }
0x71: {  	_ =	shalt  }
0x72: {  	_ =	shalt  }
0x73: {  	_ =	shalt  }
0x74: {  	_ =	shalt  }
0x75: {  	_ =	shalt  }
0x76: {  	_ =	shalt  }
0x77: {  	_ =	shalt  }
0x78: {  	_ =	shalt  }
0x79: {  	_ =	shalt  }
0x7a: {  	_ =	shalt  }
0x7b: {  	_ =	shalt  }
0x7c: {  	_ =	shalt  }
0x7d: {  	_ =	shalt  }
0x7e: {  	_ =	shalt  }
0x7f: {  	_ =	shalt  }
0x80: {  	_ =	shalt  }
0x81: {  	_ =	shalt  }
0x82: {  	_ =	shalt  }
0x83: {  	_ =	shalt  }
0x84: {  	_ =	shalt  }
0x85: {  	_ =	shalt  }
0x86: {  	_ =	shalt  }
0x87: {  	_ =	shalt  }
.Lfunc_end0:
.L_simem_size_0:
called_computation.1_lowered:
.L_overlay_start_0:
0x88: {  	s2 =	sld [smem:$0x3FD9]  }
0x89: {  	s3 =	sld [smem:$0x3FFE];
	_ =	sdelay $0x1  }
0x8a: {  	s1 =	srdreg.scid  }
0x8b: {  	s0 =	sand.u32 $0x1, s1  }
0x8c: {  	s17 =	sshll.u32 s0, $0xA;
	s2 =	sadd.s32 s3, s2  }
0x8d: {  	s2 =	sadd.s32 s2, s17  }
0x8e: {  	[smem:$0x3FC2] =	sst s2  }
0x8f: {  	_ = 	snop  }
0x90: {  	s2 =	sld [smem:$0x3FD0];
	(tm) =	ssettm $0x1  }
0x91: {  	s18 =	sld [smem:$0x3FFB];
	_ =	sdelay $0x3  }
0x92: {  	_ =	strace s18  }
0x93: {  	s3 =	sld [smem:$0x3FFC];
	_ =	sdelay $0x3  }
0x94: {  	_ =	strace s3  }
0x95: {  	s3 =	sld [smem:$0x3FFD];
	_ =	sdelay $0x3  }
0x96: {  	_ =	strace s3  }
0x97: {  	_ =	strace $0x8FFFFFFF  }
0x98: {  	s19 =	sld [smem:$0x3FDB];
	_ =	sdelay $0x1  }
0x99: {  	s4 =	simm.s32 $_scs_section_size  }
0x9a: {  	s5 =	simm.s32 $_size__tile_overlayer_lowered;
	s6 =	simm.s32 $_tile_overlayer_lowered  }
0x9b: {  	s22 =	simm.s32 $0x1BFF;
	s21 =	sshll.u32 s6, $0x1;
	s3 =	sadd.s32 s4, s19  }
0x9c: {  	s7 =	simm.s32 $0x0;
	s20 =	sshll.u32 s5, $0x1;
	s5 =	sadd.s32 s21, s3  }
0x9d: {  	[timem:s7], [sflag:s22] =	dma.local [hbm:s5], s20  }
0x9e: {  	_ =	swait.ge [sflag:s22], s20  }
0x9f: {  	s4 =	ssub.s32 $0x0, s20;
	[sflag:s22] =	ssyncset.done $0x0  }
0xa0: {  	[sflag:s22] =	ssyncadd.s32 s4;
	_ =	sdelay $0x1  }
0xa1: {  	s23 =	simm.s32 $0x1B8B  }
0xa2: {  	_ =	swait.ge [sflag:s23], $0x1  }
0xa3: {  	[sflag:s23] =	ssyncset.done $0x0  }
0xa4: {  	s25 =	simm.s32 $0x1B8E;
	s24 =	sld [smem:$0x3FFE];
	[sflag:s23] =	ssyncadd.s32 $0xFFFFFFFF  }
0xa5: {  	s26 =	simm.s32 $execute0_lowered;
	[smem:$0x3FD2] =	sst s25  }
0xa6: {  	s5 =	sshll.u32 s26, $0x1;
	_ =	strace $0x80000049;
	[dreg:$0x1] =	wrdreg $0xFFFFFFFF  }
0xa7: {  	s28 =	simm.s32 $_size_execute0_lowered;
	s3 =	sadd.s32 s3, s5;
	[dreg:$0x0] =	wrdreg $0x0  }
0xa8: {  	s5 =	sshll.u32 s28, $0x1;
	[dreg:$0x2] =	wrdreg s3  }
0xa9: {  	[dreg:$0x3] =	wrdreg s5  }
0xaa: {  	[dreg:$0x4] =	wrdreg $0xC0  }
0xab: {  	_ =	task [dreg:s7], $0x5FFFF  }
0xac: {  	[dreg:$0x1] =	wrdreg $0xFFFFFFFF  }
0xad: {  	[dreg:$0x0] =	wrdreg $0x60  }
0xae: {  	[dreg:$0x2] =	wrdreg s2  }
0xaf: {  	[dreg:$0x3] =	wrdreg s24  }
0xb0: {  	[dreg:$0x4] =	wrdreg $0xAC000  }
0xb1: {  	[dreg:$0x5] =	wrdreg $0x9  }
0xb2: {  	_ =	task.clear_ibuf [dreg:s7], $0x6FFFF;
	_ =	strace $0x90000049  }
0xb3: {  	s29 =	simm.s32 $0x9;
	_ =	strace $0x8000004B  }
0xb4: {  	_ =	swait.ge [sflag:s29], $0x1  }
0xb5: {  	[sflag:s29] =	ssyncadd.s32 $0xFFFFFFFF  }
0xb6: {  	_ =	strace $0x9000004B  }
0xb7: {  	_ =	sfence  }
0xb8: {  	s30 =	sld [smem:$0x0];
	_ =	sdelay $0x2  }
0xb9: {  	s31 =	sshll.u32 s1, $0xD;
	s1 =	sshrl.u32 s1, $0x2  }
0xba: {  	s3 =	sand.u32 $0x4000, s31;
	s1 =	sadd.s32 s1, s30  }
0xbb: {  	s0 =	sor.u32 s3, s0;
	s1 =	sshll.u32 s1, $0x11  }
0xbc: {  	s0 =	sor.u32 s1, s0  }
0xbd: {  	s0 =	sadd.s32 $0x8F2B, s0  }
0xbe: {  	[sflag:s0] =	ssyncadd.remote.s32 $0x1  }
0xbf: {  	_ =	sfence.sel $0xFFFF  }
0xc0: {  	[dreg:$0x0] =	wrdreg $0xFFFFFFFF;
	(pc) =	sbr.abs _section_cstart, $3  }
0xc1: {  	[dreg:$0x1] =	wrdreg $0xFFFFFFFF  }
0xc2: {  	_ =	task.clear_ibuf [dreg:s7], $0x2FFFF;
	_ =	strace $0x9FFFFFFF  }
0xc3: {  	(tm) =	ssettm $0x7FFFFFFF  }
tec
execute0_lowered:
.L_overlay_start_1:
0x0: {  	(tag) =	ssettag $0x1  }
0x1: {  	s1 =	rddreg [dreg:$0x0]  }
0x2: {  	s0 =	srdreg.scid;
	s2 =	rddreg [dreg:$0x1]  }
0x3: {  	s13 =	stileid.u32;
	s3 =	rddreg [dreg:$0x2]  }
0x4: {  	s15 =	simm.s32 $0x1;
	s16 =	simm.s32 $0x80;
	s17 =	simm.s32 $0x2C00  }
0x5: {  	s18 =	simm.s32 $0x2880;
	s19 =	simm.s32 $0x6C00;
	s20 =	simm.s32 $0x2  }
0x6: {  	s21 =	simm.s32 $0x4;
	s22 =	simm.s32 $0x2900;
	s28 =	simm.s32 $0x2A80  }
0x7: {  	s29 =	simm.s32 $0x2B00;
	s30 =	simm.s32 $0x2B80;
	s6 =	smul.u32 $0x2800, s13  }
0x8: {  	s0 =	sand.u32 $0x1, s0;
	s4 =	sshll.u32 s13, $0x1;
	s8 =	smul.u32 $0x50000, s13  }
0x9: {  	s11 =	sadd.s32 $0xC400, s2;
	s12 =	smul.u32 $0x5000, s13;
	s14 =	sadd.s32 $0x16400, s2  }
0xa: {  	s25 =	sshll.u32 s13, $0x6;
	s5 =	sor.u32 s0, s4;
	s7 =	smul.u32 $0x28000, s0  }
0xb: {  	s4 =	simm.s32 $0x0;
	s10 =	ssub.s32 $0x2, s0;
	s0 =	smul.u32 $0x2800, s0  }
0xc: {  	s13 =	simm.s32 $0x6;
	s5 =	smul.u32 $0x2800, s5;
	[smem:$0x7FF] =	sst s4  }
0xd: {  	s23 =	sshrl.u32 s10, $0x1;
	s24 =	sshrl.u32 s8, $0x2;
	_ =	strace $0x8000004A  }
0xe: {  	s6 =	sadd.s32 s6, s7;
	[dreg:$0x4] =	wrdreg s14;
	s10 =	ssub.s32 s10, s23  }
0xf: {  	s0 =	sadd.s32 s0, s12;
	s26 =	sadd.s32 s24, s3;
	s14 =	simm.s32 $0x2800  }
0x10: {  	s23 =	simm.s32 $0x3;
	s24 =	simm.s32 $0x5;
	s5 =	sshrl.u32 s5, $0x3  }
0x11: {  	s0 =	sor.u32 $0x400, s0;
	s10 =	smax.u32 s10, $0x1;
	s12 =	sshrl.u32 s26, $0x3  }
0x12: {  	s26 =	simm.s32 $0x2A00;
	s9 =	sadd.s32 s5, s2;
	s2 =	sadd.s32 s6, s2  }
0x13: {  	s6 =	sor.u32 $0x1C06, s25;
	s8 =	sadd.s32 s11, s5;
	s0 =	sshrl.u32 s0, $0x3  }
0x14: {  	s25 =	simm.s32 $0x2980;
	s31 =	sadd.s32 $0x2400, s9;
	s9 =	sadd.s32 $0x67000, s2  }
0x15: {  	s11 =	sadd.s32 s0, s11;
	s0 =	simm.s32 $0x0;
	[dreg:$0x5] =	wrdreg s31  }
.LBB2_1:
0x16: {  	s2 =	rddreg [dreg:$0x4]  }
0x17: {  	[spmem:s12], [sflag:s6] =	dma.local [hbm:s2], $0x2800  }
0x18: {  	_ =	swait.ge [sflag:s13], $0x2800  }
0x19: {  	[sflag:s13] =	ssyncset.done $0x0  }
0x1a: {  	s7 =	rddreg [dreg:$0x5];
	[sflag:s13] =	ssyncadd.s32 $0xFFFFD800  }
0x1b: {  	[tilespmem:s4], [sflag:$0x6] =	stream.linear.gather [hbm4b:s7+s4], $0x2800, $0x38;
	[tilespmem:$0x1EC00] =	vst v63  }
0x1c: {  	_ =	swait.ge [sflag:s13], $0x2800  }
0x1d: {  	[sflag:s13] =	ssyncset.done $0x0  }
0x1e: {  	[sflag:s13] =	ssyncadd.s32 $0xFFFFD800  }
0x1f: {  	[tilespmem:s14], [sflag:$0x1] =	stream.linear.gather [hbm4b:s8+s4], $0x400, $0x38;
	[tilespmem:$0x1EC00] =	vst v63  }
0x20: {  	[bflag:$0x0] =	sbarrier.arrive $0xFFFF  }
0x21: {  	_ =	swait.ge [sflag:s15], $0x400  }
0x22: {  	[sflag:s15] =	ssyncset.done $0x0  }
0x23: {  	[sflag:s15] =	ssyncadd.s32 $0xFFFFFC00  }
0x24: {  	[tilespmem:s17], [sflag:$0x2] =	stream.indirect.gather [hbm4b:s1+s16], $0x80, s14, s16, $0xb8;
	[tilespmem:$0x1EC00] =	vst v63  }
0x25: {  	_ = 	snop  }
0x26: {  	[tilespmem:s19], [sflag:$0x3] =	stream.indirect.gather [hbm4b:s1+s16], $0x80, s18, s16, $0xb8;
	[tilespmem:$0x1EC00] =	vst v63  }
0x27: {  	_ =	swait.ge [sflag:s20], $0x4000  }
0x28: {  	[sflag:s20] =	ssyncset.done $0x0  }
0x29: {  	s5 =	simm.s32 $0x0;
	[sflag:s20] =	ssyncadd.s32 $0xFFFFC000  }
0x2a: {  	[spmem:s3] =	stream.indirect.scatter.add.f32 [tilespmem:s17], [sflag:$0x4], $0x80, s5, s16, $0xb8;
	[tilespmem:$0x1EC00] =	vst v63  }
0x2b: {  	_ =	swait.ge [sflag:s21], $0x4000  }
0x2c: {  	[sflag:s21] =	ssyncset.done $0x0  }
0x2d: {  	[sflag:s21] =	ssyncadd.s32 $0xFFFFC000  }
0x2e: {  	[tilespmem:s17], [sflag:$0x2] =	stream.indirect.gather [hbm4b:s1+s16], $0x80, s22, s16, $0xb8;
	[tilespmem:$0x1EC00] =	vst v63  }
0x2f: {  	_ =	swait.ge [sflag:s23], $0x4000  }
0x30: {  	[sflag:s23] =	ssyncset.done $0x0  }
0x31: {  	s7 =	simm.s32 $0x80;
	[sflag:s23] =	ssyncadd.s32 $0xFFFFC000  }
0x32: {  	[spmem:s3] =	stream.indirect.scatter.add.f32 [tilespmem:s19], [sflag:$0x5], $0x80, s7, s16, $0xb8;
	[tilespmem:$0x1EC00] =	vst v63  }
0x33: {  	_ =	swait.ge [sflag:s24], $0x4000  }
0x34: {  	[sflag:s24] =	ssyncset.done $0x0  }
0x35: {  	[sflag:s24] =	ssyncadd.s32 $0xFFFFC000  }
0x36: {  	[tilespmem:s19], [sflag:$0x3] =	stream.indirect.gather [hbm4b:s1+s16], $0x80, s25, s16, $0xb8;
	[tilespmem:$0x1EC00] =	vst v63  }
0x37: {  	_ =	swait.ge [sflag:s20], $0x4000  }
0x38: {  	[sflag:s20] =	ssyncset.done $0x0  }
0x39: {  	s5 =	simm.s32 $0x100;
	[sflag:s20] =	ssyncadd.s32 $0xFFFFC000  }
0x3a: {  	[spmem:s3] =	stream.indirect.scatter.add.f32 [tilespmem:s17], [sflag:$0x4], $0x80, s5, s16, $0xb8;
	[tilespmem:$0x1EC00] =	vst v63  }
0x3b: {  	_ =	swait.ge [sflag:s21], $0x4000  }
0x3c: {  	[sflag:s21] =	ssyncset.done $0x0  }
0x3d: {  	[sflag:s21] =	ssyncadd.s32 $0xFFFFC000  }
0x3e: {  	[tilespmem:s17], [sflag:$0x2] =	stream.indirect.gather [hbm4b:s1+s16], $0x80, s26, s16, $0xb8;
	[tilespmem:$0x1EC00] =	vst v63  }
0x3f: {  	_ =	swait.ge [sflag:s23], $0x4000  }
0x40: {  	[sflag:s23] =	ssyncset.done $0x0  }
0x41: {  	s7 =	simm.s32 $0x180;
	[sflag:s23] =	ssyncadd.s32 $0xFFFFC000  }
0x42: {  	[spmem:s3] =	stream.indirect.scatter.add.f32 [tilespmem:s19], [sflag:$0x5], $0x80, s7, s16, $0xb8;
	[tilespmem:$0x1EC00] =	vst v63  }
0x43: {  	_ =	swait.ge [sflag:s24], $0x4000  }
0x44: {  	[sflag:s24] =	ssyncset.done $0x0  }
0x45: {  	[sflag:s24] =	ssyncadd.s32 $0xFFFFC000  }
0x46: {  	[tilespmem:s19], [sflag:$0x3] =	stream.indirect.gather [hbm4b:s1+s16], $0x80, s28, s16, $0xb8;
	[tilespmem:$0x1EC00] =	vst v63  }
0x47: {  	_ =	swait.ge [sflag:s20], $0x4000  }
0x48: {  	[sflag:s20] =	ssyncset.done $0x0  }
0x49: {  	s5 =	simm.s32 $0x200;
	[sflag:s20] =	ssyncadd.s32 $0xFFFFC000  }
0x4a: {  	[spmem:s3] =	stream.indirect.scatter.add.f32 [tilespmem:s17], [sflag:$0x4], $0x80, s5, s16, $0xb8;
	[tilespmem:$0x1EC00] =	vst v63  }
0x4b: {  	_ =	swait.ge [sflag:s21], $0x4000  }
0x4c: {  	[sflag:s21] =	ssyncset.done $0x0  }
0x4d: {  	[sflag:s21] =	ssyncadd.s32 $0xFFFFC000  }
0x4e: {  	[tilespmem:s17], [sflag:$0x2] =	stream.indirect.gather [hbm4b:s1+s16], $0x80, s29, s16, $0xb8;
	[tilespmem:$0x1EC00] =	vst v63  }
0x4f: {  	_ =	swait.ge [sflag:s23], $0x4000  }
0x50: {  	[sflag:s23] =	ssyncset.done $0x0  }
0x51: {  	s7 =	simm.s32 $0x280;
	[sflag:s23] =	ssyncadd.s32 $0xFFFFC000  }
0x52: {  	[spmem:s3] =	stream.indirect.scatter.add.f32 [tilespmem:s19], [sflag:$0x5], $0x80, s7, s16, $0xb8;
	[tilespmem:$0x1EC00] =	vst v63  }
0x53: {  	_ =	swait.ge [sflag:s24], $0x4000  }
0x54: {  	[sflag:s24] =	ssyncset.done $0x0  }
0x55: {  	[sflag:s24] =	ssyncadd.s32 $0xFFFFC000  }
0x56: {  	[tilespmem:s19], [sflag:$0x3] =	stream.indirect.gather [hbm4b:s1+s16], $0x80, s30, s16, $0xb8;
	[tilespmem:$0x1EC00] =	vst v63  }
0x57: {  	_ =	swait.ge [sflag:s20], $0x4000  }
0x58: {  	[sflag:s20] =	ssyncset.done $0x0  }
0x59: {  	s5 =	simm.s32 $0x300;
	[sflag:s20] =	ssyncadd.s32 $0xFFFFC000  }
0x5a: {  	[spmem:s3] =	stream.indirect.scatter.add.f32 [tilespmem:s17], [sflag:$0x4], $0x80, s5, s16, $0xb8;
	[tilespmem:$0x1EC00] =	vst v63  }
0x5b: {  	_ =	swait.ge [sflag:s23], $0x4000  }
0x5c: {  	[sflag:s23] =	ssyncset.done $0x0  }
0x5d: {  	[sflag:s23] =	ssyncadd.s32 $0xFFFFC000  }
0x5e: {  	[tilespmem:s14], [sflag:$0x1] =	stream.linear.gather [hbm4b:s11+s4], $0x400, $0x38;
	[tilespmem:$0x1EC00] =	vst v63  }
0x5f: {  	s7 =	simm.s32 $0x380  }
0x60: {  	[spmem:s3] =	stream.indirect.scatter.add.f32 [tilespmem:s19], [sflag:$0x5], $0x80, s7, s16, $0xb8;
	[tilespmem:$0x1EC00] =	vst v63  }
0x61: {  	_ =	swait.ge [sflag:s21], $0x4000  }
0x62: {  	[sflag:s21] =	ssyncset.done $0x0  }
0x63: {  	[sflag:s21] =	ssyncadd.s32 $0xFFFFC000  }
0x64: {  	_ =	swait.ge [sflag:s24], $0x4000  }
0x65: {  	[sflag:s24] =	ssyncset.done $0x0  }
0x66: {  	[sflag:s24] =	ssyncadd.s32 $0xFFFFC000  }
0x67: {  	_ =	swait.ge [sflag:s15], $0x400  }
0x68: {  	[sflag:s15] =	ssyncset.done $0x0  }
0x69: {  	s31 =	simm.s32 $0x1000;
	s2 =	sadd.s32 $0x80, s11;
	[sflag:s15] =	ssyncadd.s32 $0xFFFFFC00  }
0x6a: {  	[tilespmem:s17], [sflag:$0x2] =	stream.indirect.gather [hbm4b:s1+s16], $0x80, s14, s16, $0xb8;
	[tilespmem:$0x1EC00] =	vst v63  }
.LBB2_2:
0x6b: {  	[tilespmem:s19], [sflag:$0x3] =	stream.indirect.gather [hbm4b:s1+s16], $0x80, s18, s16, $0xb8;
	[tilespmem:$0x1EC00] =	vst v63  }
0x6c: {  	s5 =	smov.u32 s31  }
0x6d: {  	p0 =	sne.s32 s31, $0x8000;
	s31 =	sadd.s32 $0x1000, s31;
	_ =	swait.ge [sflag:s20], $0x4000  }
0x6e: {  	[sflag:s20] =	ssyncset.done $0x0  }
0x6f: {  	s5 =	sshra.s32 s5, $0x2;
	[sflag:s20] =	ssyncadd.s32 $0xFFFFC000  }
0x70: {  	[spmem:s3] =	stream.indirect.scatter.add.f32 [tilespmem:s17], [sflag:$0x4], $0x80, s5, s16, $0xb8;
	[tilespmem:$0x1EC00] =	vst v63  }
0x71: {  	_ =	swait.ge [sflag:s21], $0x4000  }
0x72: {  	[sflag:s21] =	ssyncset.done $0x0  }
0x73: {  	[sflag:s21] =	ssyncadd.s32 $0xFFFFC000  }
0x74: {  	[tilespmem:s17], [sflag:$0x2] =	stream.indirect.gather [hbm4b:s1+s16], $0x80, s22, s16, $0xb8;
	[tilespmem:$0x1EC00] =	vst v63  }
0x75: {  	_ =	swait.ge [sflag:s23], $0x4000  }
0x76: {  	[sflag:s23] =	ssyncset.done $0x0  }
0x77: {  	s7 =	sadd.s32 $0x80, s5;
	[sflag:s23] =	ssyncadd.s32 $0xFFFFC000  }
0x78: {  	[spmem:s3] =	stream.indirect.scatter.add.f32 [tilespmem:s19], [sflag:$0x5], $0x80, s7, s16, $0xb8;
	[tilespmem:$0x1EC00] =	vst v63  }
0x79: {  	_ =	swait.ge [sflag:s24], $0x4000  }
0x7a: {  	[sflag:s24] =	ssyncset.done $0x0  }
0x7b: {  	[sflag:s24] =	ssyncadd.s32 $0xFFFFC000  }
0x7c: {  	[tilespmem:s19], [sflag:$0x3] =	stream.indirect.gather [hbm4b:s1+s16], $0x80, s25, s16, $0xb8;
	[tilespmem:$0x1EC00] =	vst v63  }
0x7d: {  	_ =	swait.ge [sflag:s20], $0x4000  }
0x7e: {  	[sflag:s20] =	ssyncset.done $0x0  }
0x7f: {  	s7 =	sadd.s32 $0x100, s5;
	[sflag:s20] =	ssyncadd.s32 $0xFFFFC000  }
0x80: {  	[spmem:s3] =	stream.indirect.scatter.add.f32 [tilespmem:s17], [sflag:$0x4], $0x80, s7, s16, $0xb8;
	[tilespmem:$0x1EC00] =	vst v63  }
0x81: {  	_ =	swait.ge [sflag:s21], $0x4000  }
0x82: {  	[sflag:s21] =	ssyncset.done $0x0  }
0x83: {  	[sflag:s21] =	ssyncadd.s32 $0xFFFFC000  }
0x84: {  	[tilespmem:s17], [sflag:$0x2] =	stream.indirect.gather [hbm4b:s1+s16], $0x80, s26, s16, $0xb8;
	[tilespmem:$0x1EC00] =	vst v63  }
0x85: {  	_ =	swait.ge [sflag:s23], $0x4000  }
0x86: {  	[sflag:s23] =	ssyncset.done $0x0  }
0x87: {  	s7 =	sadd.s32 $0x180, s5;
	[sflag:s23] =	ssyncadd.s32 $0xFFFFC000  }
0x88: {  	[spmem:s3] =	stream.indirect.scatter.add.f32 [tilespmem:s19], [sflag:$0x5], $0x80, s7, s16, $0xb8;
	[tilespmem:$0x1EC00] =	vst v63  }
0x89: {  	_ =	swait.ge [sflag:s24], $0x4000  }
0x8a: {  	[sflag:s24] =	ssyncset.done $0x0  }
0x8b: {  	[sflag:s24] =	ssyncadd.s32 $0xFFFFC000  }
0x8c: {  	[tilespmem:s19], [sflag:$0x3] =	stream.indirect.gather [hbm4b:s1+s16], $0x80, s28, s16, $0xb8;
	[tilespmem:$0x1EC00] =	vst v63  }
0x8d: {  	_ =	swait.ge [sflag:s20], $0x4000  }
0x8e: {  	[sflag:s20] =	ssyncset.done $0x0  }
0x8f: {  	s7 =	sadd.s32 $0x200, s5;
	[sflag:s20] =	ssyncadd.s32 $0xFFFFC000  }
0x90: {  	[spmem:s3] =	stream.indirect.scatter.add.f32 [tilespmem:s17], [sflag:$0x4], $0x80, s7, s16, $0xb8;
	[tilespmem:$0x1EC00] =	vst v63  }
0x91: {  	_ =	swait.ge [sflag:s21], $0x4000  }
0x92: {  	[sflag:s21] =	ssyncset.done $0x0  }
0x93: {  	[sflag:s21] =	ssyncadd.s32 $0xFFFFC000  }
0x94: {  	[tilespmem:s17], [sflag:$0x2] =	stream.indirect.gather [hbm4b:s1+s16], $0x80, s29, s16, $0xb8;
	[tilespmem:$0x1EC00] =	vst v63  }
0x95: {  	_ =	swait.ge [sflag:s23], $0x4000  }
0x96: {  	[sflag:s23] =	ssyncset.done $0x0  }
0x97: {  	s7 =	sadd.s32 $0x280, s5;
	[sflag:s23] =	ssyncadd.s32 $0xFFFFC000  }
0x98: {  	[spmem:s3] =	stream.indirect.scatter.add.f32 [tilespmem:s19], [sflag:$0x5], $0x80, s7, s16, $0xb8;
	[tilespmem:$0x1EC00] =	vst v63  }
0x99: {  	_ =	swait.ge [sflag:s24], $0x4000  }
0x9a: {  	[sflag:s24] =	ssyncset.done $0x0  }
0x9b: {  	[sflag:s24] =	ssyncadd.s32 $0xFFFFC000  }
0x9c: {  	[tilespmem:s19], [sflag:$0x3] =	stream.indirect.gather [hbm4b:s1+s16], $0x80, s30, s16, $0xb8;
	[tilespmem:$0x1EC00] =	vst v63  }
0x9d: {  	_ =	swait.ge [sflag:s20], $0x4000  }
0x9e: {  	[sflag:s20] =	ssyncset.done $0x0  }
0x9f: {  	s7 =	sadd.s32 $0x300, s5;
	[sflag:s20] =	ssyncadd.s32 $0xFFFFC000  }
0xa0: {  	[spmem:s3] =	stream.indirect.scatter.add.f32 [tilespmem:s17], [sflag:$0x4], $0x80, s7, s16, $0xb8;
	[tilespmem:$0x1EC00] =	vst v63  }
0xa1: {  	_ =	swait.ge [sflag:s23], $0x4000  }
0xa2: {  	[sflag:s23] =	ssyncset.done $0x0  }
0xa3: {  	[sflag:s23] =	ssyncadd.s32 $0xFFFFC000  }
0xa4: {  	[tilespmem:s14], [sflag:$0x1] =	stream.linear.gather [hbm4b:s2+s4], $0x400, $0x38;
	[tilespmem:$0x1EC00] =	vst v63  }
0xa5: {  	s5 =	sadd.s32 $0x380, s5  }
0xa6: {  	[spmem:s3] =	stream.indirect.scatter.add.f32 [tilespmem:s19], [sflag:$0x5], $0x80, s5, s16, $0xb8;
	[tilespmem:$0x1EC00] =	vst v63  }
0xa7: {  	_ =	swait.ge [sflag:s21], $0x4000  }
0xa8: {  	[sflag:s21] =	ssyncset.done $0x0  }
0xa9: {  	[sflag:s21] =	ssyncadd.s32 $0xFFFFC000  }
0xaa: {  	_ =	swait.ge [sflag:s24], $0x4000  }
0xab: {  	[sflag:s24] =	ssyncset.done $0x0  }
0xac: {  	[sflag:s24] =	ssyncadd.s32 $0xFFFFC000  }
.Ltmp0:
0xad: {  	_ =	swait.ge [sflag:s15], $0x400;
	(pc) =	sbr.rel @p0 .LBB2_2-.Ltmp0, $4  }
0xae: {  	[sflag:s15] =	ssyncset.done $0x0  }
0xaf: {  	[sflag:s15] =	ssyncadd.s32 $0xFFFFFC00  }
0xb0: {  	[tilespmem:s17], [sflag:$0x2] =	stream.indirect.gather [hbm4b:s1+s16], $0x80, s14, s16, $0xb8;
	[tilespmem:$0x1EC00] =	vst v63  }
0xb1: {  	s2 =	sadd.s32 $0x80, s2  }
0xb2: {  	[tilespmem:s19], [sflag:$0x3] =	stream.indirect.gather [hbm4b:s1+s16], $0x80, s18, s16, $0xb8;
	[tilespmem:$0x1EC00] =	vst v63  }
0xb3: {  	_ =	swait.ge [sflag:s20], $0x4000  }
0xb4: {  	[sflag:s20] =	ssyncset.done $0x0  }
0xb5: {  	s2 =	simm.s32 $0x2400;
	[sflag:s20] =	ssyncadd.s32 $0xFFFFC000  }
0xb6: {  	[spmem:s3] =	stream.indirect.scatter.add.f32 [tilespmem:s17], [sflag:$0x4], $0x80, s2, s16, $0xb8;
	[tilespmem:$0x1EC00] =	vst v63  }
0xb7: {  	_ =	swait.ge [sflag:s21], $0x4000  }
0xb8: {  	[sflag:s21] =	ssyncset.done $0x0  }
0xb9: {  	[sflag:s21] =	ssyncadd.s32 $0xFFFFC000  }
0xba: {  	[tilespmem:s17], [sflag:$0x2] =	stream.indirect.gather [hbm4b:s1+s16], $0x80, s22, s16, $0xb8;
	[tilespmem:$0x1EC00] =	vst v63  }
0xbb: {  	_ =	swait.ge [sflag:s23], $0x4000  }
0xbc: {  	[sflag:s23] =	ssyncset.done $0x0  }
0xbd: {  	s31 =	simm.s32 $0x2480;
	[sflag:s23] =	ssyncadd.s32 $0xFFFFC000  }
0xbe: {  	[spmem:s3] =	stream.indirect.scatter.add.f32 [tilespmem:s19], [sflag:$0x5], $0x80, s31, s16, $0xb8;
	[tilespmem:$0x1EC00] =	vst v63  }
0xbf: {  	_ =	swait.ge [sflag:s24], $0x4000  }
0xc0: {  	[sflag:s24] =	ssyncset.done $0x0  }
0xc1: {  	[sflag:s24] =	ssyncadd.s32 $0xFFFFC000  }
0xc2: {  	[tilespmem:s19], [sflag:$0x3] =	stream.indirect.gather [hbm4b:s1+s16], $0x80, s25, s16, $0xb8;
	[tilespmem:$0x1EC00] =	vst v63  }
0xc3: {  	_ =	swait.ge [sflag:s20], $0x4000  }
0xc4: {  	[sflag:s20] =	ssyncset.done $0x0  }
0xc5: {  	s5 =	simm.s32 $0x2500;
	[sflag:s20] =	ssyncadd.s32 $0xFFFFC000  }
0xc6: {  	[spmem:s3] =	stream.indirect.scatter.add.f32 [tilespmem:s17], [sflag:$0x4], $0x80, s5, s16, $0xb8;
	[tilespmem:$0x1EC00] =	vst v63  }
0xc7: {  	_ =	swait.ge [sflag:s21], $0x4000  }
0xc8: {  	[sflag:s21] =	ssyncset.done $0x0  }
0xc9: {  	[sflag:s21] =	ssyncadd.s32 $0xFFFFC000  }
0xca: {  	[tilespmem:s17], [sflag:$0x2] =	stream.indirect.gather [hbm4b:s1+s16], $0x80, s26, s16, $0xb8;
	[tilespmem:$0x1EC00] =	vst v63  }
0xcb: {  	_ =	swait.ge [sflag:s23], $0x4000  }
0xcc: {  	[sflag:s23] =	ssyncset.done $0x0  }
0xcd: {  	s7 =	simm.s32 $0x2580;
	[sflag:s23] =	ssyncadd.s32 $0xFFFFC000  }
0xce: {  	[spmem:s3] =	stream.indirect.scatter.add.f32 [tilespmem:s19], [sflag:$0x5], $0x80, s7, s16, $0xb8;
	[tilespmem:$0x1EC00] =	vst v63  }
0xcf: {  	_ =	swait.ge [sflag:s24], $0x4000  }
0xd0: {  	[sflag:s24] =	ssyncset.done $0x0  }
0xd1: {  	[sflag:s24] =	ssyncadd.s32 $0xFFFFC000  }
0xd2: {  	[tilespmem:s19], [sflag:$0x3] =	stream.indirect.gather [hbm4b:s1+s16], $0x80, s28, s16, $0xb8;
	[tilespmem:$0x1EC00] =	vst v63  }
0xd3: {  	_ =	swait.ge [sflag:s20], $0x4000  }
0xd4: {  	[sflag:s20] =	ssyncset.done $0x0  }
0xd5: {  	s31 =	simm.s32 $0x2600;
	[sflag:s20] =	ssyncadd.s32 $0xFFFFC000  }
0xd6: {  	[spmem:s3] =	stream.indirect.scatter.add.f32 [tilespmem:s17], [sflag:$0x4], $0x80, s31, s16, $0xb8;
	[tilespmem:$0x1EC00] =	vst v63  }
0xd7: {  	_ =	swait.ge [sflag:s21], $0x4000  }
0xd8: {  	[sflag:s21] =	ssyncset.done $0x0  }
0xd9: {  	[sflag:s21] =	ssyncadd.s32 $0xFFFFC000  }
0xda: {  	[tilespmem:s17], [sflag:$0x2] =	stream.indirect.gather [hbm4b:s1+s16], $0x80, s29, s16, $0xb8;
	[tilespmem:$0x1EC00] =	vst v63  }
0xdb: {  	_ =	swait.ge [sflag:s23], $0x4000  }
0xdc: {  	[sflag:s23] =	ssyncset.done $0x0  }
0xdd: {  	s5 =	simm.s32 $0x2680;
	[sflag:s23] =	ssyncadd.s32 $0xFFFFC000  }
0xde: {  	[spmem:s3] =	stream.indirect.scatter.add.f32 [tilespmem:s19], [sflag:$0x5], $0x80, s5, s16, $0xb8;
	[tilespmem:$0x1EC00] =	vst v63  }
0xdf: {  	_ =	swait.ge [sflag:s24], $0x4000  }
0xe0: {  	[sflag:s24] =	ssyncset.done $0x0  }
0xe1: {  	[sflag:s24] =	ssyncadd.s32 $0xFFFFC000  }
0xe2: {  	[tilespmem:s19], [sflag:$0x3] =	stream.indirect.gather [hbm4b:s1+s16], $0x80, s30, s16, $0xb8;
	[tilespmem:$0x1EC00] =	vst v63  }
0xe3: {  	_ =	swait.ge [sflag:s20], $0x4000  }
0xe4: {  	[sflag:s20] =	ssyncset.done $0x0  }
0xe5: {  	s7 =	simm.s32 $0x2700;
	[sflag:s20] =	ssyncadd.s32 $0xFFFFC000  }
0xe6: {  	[spmem:s3] =	stream.indirect.scatter.add.f32 [tilespmem:s17], [sflag:$0x4], $0x80, s7, s16, $0xb8;
	[tilespmem:$0x1EC00] =	vst v63  }
0xe7: {  	_ =	swait.ge [sflag:s23], $0x4000  }
0xe8: {  	[sflag:s23] =	ssyncset.done $0x0  }
0xe9: {  	s31 =	simm.s32 $0x2780;
	[sflag:s23] =	ssyncadd.s32 $0xFFFFC000  }
0xea: {  	[spmem:s3] =	stream.indirect.scatter.add.f32 [tilespmem:s19], [sflag:$0x5], $0x80, s31, s16, $0xb8;
	[tilespmem:$0x1EC00] =	vst v63  }
0xeb: {  	_ =	swait.ge [sflag:s21], $0x4000  }
0xec: {  	[sflag:s21] =	ssyncset.done $0x0  }
0xed: {  	[sflag:s21] =	ssyncadd.s32 $0xFFFFC000  }
0xee: {  	_ =	swait.ge [sflag:s24], $0x4000  }
0xef: {  	s0 =	sadd.s32 $0x1, s0;
	[sflag:s24] =	ssyncset.done $0x0  }
0xf0: {  	p0 =	sne.s32 s0, s10;
	[sflag:s24] =	ssyncadd.s32 $0xFFFFC000  }
.Ltmp1:
0xf1: {  	[bflag:$0x0] =	sbarrier.arrive $0xFFFF;
	(pc) =	sbr.rel @p0 .LBB2_1-.Ltmp1, $4  }
0xf2: {  	[hbm:s9], [sflag:s6] =	dma.local [spmem:s12], $0x2800  }
0xf3: {  	_ =	swait.ge [sflag:s13], $0x2800  }
0xf4: {  	[sflag:s13] =	ssyncset.done $0x0  }
0xf5: {  	[sflag:s13] =	ssyncadd.s32 $0xFFFFD800  }
0xf6: {  	_ =	sfence.sel $0x180000  }
0xf7: {  	[bflag:$0x0] =	sbarrier.arrive $0xFFFF  }
0xf8: {  	_ =	strace $0x9000004A  }
0xf9: {  	s0 =	stileid.u32;
	[bflag:$0x2] =	sbarrier.arrive $0xFFFF  }
0xfa: {  	p0 =	sne.s32 s0, $0x0;
	s0 =	rddreg [dreg:$0x3]  }
0xfb: {  	s0 =	sadd.s32 @!p0 $0x100000, s0  }
0xfc: {  	[sflag:s0] =	ssyncadd.tile.s32 @!p0 $0x1;
	_ =	shalt  }
.Lfunc_end2:
_tile_overlayer_lowered:
.L_overlay_start_2:
0xfd: {  	(tag) =	ssettag $0x2  }
0xfe: {  	s0 =	rddreg [dreg:$0x0];
	s2 =	stileid.u32  }
0xff: {  	s1 =	rddreg [dreg:$0x1];
	p0 =	sne.s32 s2, $0x0  }
0x100: {  	s3 =	rddreg [dreg:$0x2];
	[bflag:$0x3] =	sbarrier.arrive $0xFFFF;
	s2 =	simm.s32 @!p0 $0x1C06  }
0x101: {  	[timem:s3], [sflag:s2] =	dma.local @!p0 [hbm:s0], s1  }
0x102: {  	s0 =	simm.s32 @!p0 $0x6  }
0x103: {  	_ =	swait.ge @!p0 [sflag:s0], s1  }
0x104: {  	s1 =	ssub.s32 @!p0 $0x0, s1;
	[sflag:s0] =	ssyncset.done @!p0 $0x0  }
0x105: {  	[sflag:s0] =	ssyncadd.s32 @!p0 s1  }
0x106: {  	[bflag:$0x3] =	sbarrier.arrive $0xFFFF  }
0x107: {  	_ =	shalt  }

</sc_bundles>
